<compile_context>
chip_gen: v7x
topology: tpu7x:2x2x1
jax: 0.10.2.dev20260603
libtpu: 0.0.44.dev20260713+nightly
codegen_flags: <defaults>
</compile_context>

<pallas_src>
import functools

import jax
import jax.numpy as jnp
from jax import lax
from jax.experimental import pallas as pl
from jax.experimental.pallas import tpu as pltpu
from jax.experimental.pallas import tpu_sc as plsc

EMBED_DIM = 1024
PAD = 1
BATCH = 4
SEQ = 8192
NROWS = BATCH * SEQ
NWORKERS = 32
SPW = SEQ // NWORKERS
CHUNK = 32
NCHUNK = SPW // CHUNK
NBUF = 2
LANES = 16
KFIX = 8

_mesh = plsc.VectorSubcoreMesh(core_axis_name="c", subcore_axis_name="s")


@functools.partial(
    pl.kernel,
    mesh=_mesh,
    out_type=jax.ShapeDtypeStruct((NROWS, EMBED_DIM), jnp.float32),
    scratch_types=[
        pltpu.VMEM((SPW,), jnp.int32),
        pltpu.VMEM((NBUF * CHUNK, EMBED_DIM), jnp.float32),
        pltpu.SemaphoreType.DMA((NBUF,)),
        pltpu.SemaphoreType.DMA((NBUF,)),
    ],
)
def _emb_stream(w_hbm, out_hbm, idx_v, rows, gsems, wsems):
    wid = lax.axis_index("s") * 2 + lax.axis_index("c")
    seq0 = wid * SPW

    def compute_idx(j, carry):
        off = j * LANES
        idx_v[pl.ds(off, LANES)] = (
            seq0 + off + (PAD + 1) + lax.iota(jnp.int32, LANES))
        return carry

    lax.fori_loop(0, SPW // LANES, compute_idx, 0)

    def slot(c):
        return c & (NBUF - 1)

    def buf(c):
        return rows.at[pl.ds(slot(c) * CHUNK, CHUNK)]

    def gather_start(c):
        return pltpu.async_copy(w_hbm.at[idx_v.at[pl.ds(c * CHUNK, CHUNK)]],
                                buf(c), gsems.at[slot(c)])

    def gather_wait(c):
        pltpu.make_async_copy(w_hbm.at[idx_v.at[pl.ds(c * CHUNK, CHUNK)]],
                              buf(c), gsems.at[slot(c)]).wait()

    def write_start(c):
        def one(b, carry):
            pltpu.async_copy(
                buf(c), out_hbm.at[pl.ds(b * SEQ + seq0 + c * CHUNK, CHUNK)],
                wsems.at[slot(c)])
            return carry
        lax.fori_loop(0, BATCH, one, 0)

    def write_wait(c):
        def one(b, carry):
            pltpu.make_async_copy(
                buf(c), out_hbm.at[pl.ds(b * SEQ + seq0 + c * CHUNK, CHUNK)],
                wsems.at[slot(c)]).wait()
            return carry
        lax.fori_loop(0, BATCH, one, 0)

    def prime(c, carry):
        gather_start(c)
        return carry

    lax.fori_loop(0, NBUF, prime, 0)

    def do_chunk(c, carry):
        gather_wait(c)
        write_start(c)

        @pl.when(c < NCHUNK - NBUF)
        def _refill():
            write_wait(c)
            gather_start(c + NBUF)

        return carry

    lax.fori_loop(0, NCHUNK, do_chunk, 0)

    def drain(c, carry):
        write_wait(NCHUNK - NBUF + c)
        return carry

    lax.fori_loop(0, NBUF, drain, 0)


@functools.partial(
    pl.kernel,
    mesh=_mesh,
    out_type=(),
    scratch_types=[
        pltpu.VMEM((KFIX,), jnp.int32),
        pltpu.VMEM((KFIX,), jnp.int32),
        pltpu.VMEM((KFIX, EMBED_DIM), jnp.float32),
        pltpu.SemaphoreType.DMA,
    ],
)
def _emb_fixup(w_hbm, fixdst_hbm, fixsrc_hbm, out_hbm, fdst_v, fsrc_v,
               fixbuf, fsem):
    wid = lax.axis_index("s") * 2 + lax.axis_index("c")
    pltpu.async_copy(fixdst_hbm.at[pl.ds(wid * KFIX, KFIX)], fdst_v, fsem)
    pltpu.async_copy(fixsrc_hbm.at[pl.ds(wid * KFIX, KFIX)], fsrc_v, fsem)
    pltpu.make_async_copy(fixdst_hbm.at[pl.ds(wid * KFIX, KFIX)],
                          fdst_v, fsem).wait()
    pltpu.make_async_copy(fixsrc_hbm.at[pl.ds(wid * KFIX, KFIX)],
                          fsrc_v, fsem).wait()
    pltpu.async_copy(w_hbm.at[fsrc_v], fixbuf, fsem).wait()
    pltpu.async_copy(fixbuf, out_hbm.at[fdst_v], fsem).wait()


RPW = NROWS // NWORKERS
FCHUNK = 32
FNCHUNK = RPW // FCHUNK
FNPAIR = FNCHUNK // 2


@functools.partial(
    pl.kernel,
    mesh=_mesh,
    out_type=jax.ShapeDtypeStruct((NROWS, EMBED_DIM), jnp.float32),
    scratch_types=[
        pltpu.VMEM((RPW,), jnp.int32),
        pltpu.VMEM((RPW,), jnp.int32),
        pltpu.VMEM((FCHUNK, EMBED_DIM), jnp.float32),
        pltpu.VMEM((FCHUNK, EMBED_DIM), jnp.float32),
        pltpu.SemaphoreType.DMA,
        pltpu.SemaphoreType.DMA,
        pltpu.SemaphoreType.DMA,
        pltpu.SemaphoreType.DMA,
    ],
)
def _emb_gather_full(inp_hbm, w_hbm, out_hbm, inp_v, idx_v, rows0, rows1,
                     gsem0, gsem1, wsem0, wsem1):
    wid = lax.axis_index("s") * 2 + lax.axis_index("c")
    base = wid * RPW

    pltpu.sync_copy(inp_hbm.at[pl.ds(base, RPW)], inp_v)

    def compute_idx(j, carry):
        off = j * LANES
        v = inp_v[pl.ds(off, LANES)]
        s = (base + off + lax.iota(jnp.int32, LANES)) & (SEQ - 1)
        pad_vec = jnp.full((LANES,), PAD, jnp.int32)
        idx_v[pl.ds(off, LANES)] = jnp.where(v != PAD, s + (PAD + 1), pad_vec)
        return carry

    lax.fori_loop(0, RPW // LANES, compute_idx, 0)

    def gather_start(c, rows, gsem):
        return pltpu.async_copy(w_hbm.at[idx_v.at[pl.ds(c * FCHUNK, FCHUNK)]],
                                rows, gsem)

    def gather_wait(c, rows, gsem):
        pltpu.make_async_copy(w_hbm.at[idx_v.at[pl.ds(c * FCHUNK, FCHUNK)]],
                              rows, gsem).wait()

    def write_start(c, rows, wsem):
        pltpu.async_copy(rows, out_hbm.at[pl.ds(base + c * FCHUNK, FCHUNK)],
                         wsem)

    def write_wait(c, rows, wsem):
        pltpu.make_async_copy(rows, out_hbm.at[pl.ds(base + c * FCHUNK, FCHUNK)],
                              wsem).wait()

    gather_start(0, rows0, gsem0)
    gather_start(1, rows1, gsem1)

    def do_pair(g, carry):
        c0 = 2 * g
        c1 = c0 + 1
        gather_wait(c0, rows0, gsem0)
        write_start(c0, rows0, wsem0)
        gather_wait(c1, rows1, gsem1)
        write_start(c1, rows1, wsem1)

        @pl.when(g < FNPAIR - 1)
        def _refill():
            write_wait(c0, rows0, wsem0)
            gather_start(c0 + 2, rows0, gsem0)
            write_wait(c1, rows1, wsem1)
            gather_start(c1 + 2, rows1, gsem1)

        return carry

    lax.fori_loop(0, FNPAIR, do_pair, 0)

    write_wait(FNCHUNK - 2, rows0, wsem0)
    write_wait(FNCHUNK - 1, rows1, wsem1)


def kernel(input, weights):
    inp_flat = input.reshape(-1)

    out1 = _emb_stream(weights)

    padmask = (input == PAD).astype(jnp.int32)
    blocks = padmask.reshape(BATCH, NWORKERS, SPW).transpose(1, 0, 2)
    blocks = blocks.reshape(NWORKERS, BATCH * SPW)
    counts = jnp.sum(blocks, axis=1)
    overflow = jnp.any(counts > KFIX)
    vals, topi = lax.top_k(blocks, KFIX)
    b_loc = topi // SPW
    s_loc = topi - b_loc * SPW
    seq = jnp.arange(NWORKERS, dtype=jnp.int32)[:, None] * SPW + s_loc
    fixdst = (b_loc * SEQ + seq).astype(jnp.int32).reshape(-1)
    fixsrc = jnp.where(vals > 0, PAD, seq + (PAD + 1)).astype(jnp.int32).reshape(-1)

    ref = jax.new_ref(out1)
    _emb_fixup(weights, fixdst, fixsrc, ref)
    out1_fixed = ref[...]

    out = lax.cond(
        overflow,
        lambda o, w, i: _emb_gather_full(i, w),
        lambda o, w, i: o,
        out1_fixed, weights, inp_flat)
    return out.reshape(BATCH, SEQ, EMBED_DIM)

# --- scband reference (transcript-rebuilt; emitter-appended) ---
"""Pipeline reference for scband-sinusoidal-positional-embedding-20607253086742 (READ-ONLY COPY).

The authoritative reference and input builder live on the scoring server;
editing this copy changes nothing except your own understanding.
"""

import math
import jax, jax.numpy as jnp
import numpy as np

EMBED_DIM = 1024
PADDING_IDX = 1
LEFT_PAD = False
INIT_SIZE = 16384
BATCH = 4
SEQ_LEN = 8192


def get_embedding(num_embeddings, embedding_dim, padding_idx):
    half_dim = embedding_dim // 2
    scale = math.log(10000) / (half_dim - 1)
    emb = jnp.exp(jnp.arange(half_dim, dtype=jnp.float32) * -scale)
    emb = jnp.arange(num_embeddings, dtype=jnp.float32)[:, None] * emb[None, :]
    emb = jnp.concatenate([jnp.sin(emb), jnp.cos(emb)], axis=1).reshape(num_embeddings, -1)
    if embedding_dim % 2 == 1:
        emb = jnp.concatenate([emb, jnp.zeros((num_embeddings, 1), dtype=jnp.float32)], axis=1)
    emb = emb.at[padding_idx].set(0.0)
    return emb


def setup_inputs(seed: int = 0) -> dict:
    key = jax.random.key(seed)
    inp = jax.random.randint(key, (BATCH, SEQ_LEN), 0, 32000, dtype=jnp.int32)
    weights = get_embedding(INIT_SIZE, EMBED_DIM, PADDING_IDX)
    return {"input": inp, "weights": weights}


def reference(input, weights):
    bsz, seq_len = input.shape
    mask = input != PADDING_IDX
    base_positions = jnp.arange(PADDING_IDX + 1, PADDING_IDX + 1 + seq_len, dtype=jnp.int32)
    base_positions = jnp.broadcast_to(base_positions[None, :], (bsz, seq_len))
    if LEFT_PAD:
        shift = jnp.sum(mask.astype(jnp.float32), axis=1).astype(jnp.int32)[:, None]
        base_positions = base_positions - seq_len + shift
    # torch masked_scatter_: keep input value (== padding_idx) where mask is False,
    # take sequential position where mask is True
    positions = jnp.where(mask, base_positions, input)
    out = jnp.take(weights, positions.reshape(-1), axis=0).reshape(bsz, seq_len, -1)
    return out

if __name__ == "__main__":
    import jax
    _d = setup_inputs()
    print(jax.jit(kernel)(*tuple(_d.values())))

</pallas_src>

<mosaic_0001>
#map = affine_map<(d0, d1) -> (0, 0)>
module attributes {stable_mosaic.version = 14 : i64} {
  func.func @_emb_stream(%arg0: i32, %arg1: i32, %arg2: memref<16384x1024xf32, #tpu.memory_space<hbm>>, %arg3: memref<32768x1024xf32, #tpu.memory_space<hbm>>, %arg4: memref<256xi32, #tpu.memory_space<vmem>>, %arg5: memref<64x1024xf32, #tpu.memory_space<vmem>>, %arg6: memref<2x!tpu.dma_semaphore, #tpu.memory_space<semaphore_mem>>, %arg7: memref<2x!tpu.dma_semaphore, #tpu.memory_space<semaphore_mem>>) attributes {dimension_semantics = [#tpu.dimension_semantics<core_parallel>, #tpu.dimension_semantics<subcore_parallel>], iteration_bounds = array<i64: 2, 16>, scalar_prefetch = 0 : i64, scratch_operands = 4 : i64, tpu.core_type = #tpu.core_type<sc_vector_subcore>, window_params = [{transform_indices = #map}, {transform_indices = #map}]} {
    %mul3A = arith.constant 2 : i32
    %mul3A_0 = arith.muli %arg1, %mul3A : i32
    %add3A = arith.addi %mul3A_0, %arg0 : i32
    %mul3A_1 = arith.constant 256 : i32
    %mul3A_2 = arith.muli %add3A, %mul3A_1 : i32
    %scan3A = arith.constant 0 : i32
    %scan3A_3 = arith.constant 0 : i32
    %scan3A_4 = arith.constant 16 : i32
    %scan3A_5 = arith.addi %scan3A_3, %scan3A_4 : i32
    %scan3A_6 = arith.constant 1 : i32
    scf.for %scan3A_26 = %scan3A_3 to %scan3A_5 step %scan3A_6  : i32 {
      %mul3A_27 = arith.constant 16 : i32
      %mul3A_28 = arith.muli %scan3A_26, %mul3A_27 : i32
      %add3A_29 = arith.addi %mul3A_2, %mul3A_28 : i32
      %add3A_30 = arith.constant 2 : i32
      %add3A_31 = arith.addi %add3A_29, %add3A_30 : i32
      %iota3A = tpu.iota {dimensions = array<i32: 0>} : vector<16xi32>
      %add3A_32 = vector.broadcast %add3A_31 : i32 to vector<16xi32>
      %add3A_33 = arith.addi %add3A_32, %iota3A : vector<16xi32>
      %swap3A = arith.index_cast %mul3A_28 : i32 to index
      %swap3A_34 = tpu.vector_load %arg4[%swap3A] {strides = array<i32>} : memref<256xi32, #tpu.memory_space<vmem>>, vector<16xi32>,
      %swap3A_35 = vector.shape_cast %swap3A_34 : vector<16xi32> to vector<16xi32>
      %swap3A_36 = vector.shape_cast %add3A_33 : vector<16xi32> to vector<16xi32>
      tpu.vector_store %arg4[%swap3A], %swap3A_36 {strides = array<i32>} : memref<256xi32, #tpu.memory_space<vmem>>, vector<16xi32>,
    }
    %scan3A_7 = arith.constant 16 : i32
    %scan3A_8 = arith.constant 0 : i32
    %scan3A_9 = arith.constant 0 : i32
    %scan3A_10 = arith.constant 2 : i32
    %scan3A_11 = arith.addi %scan3A_9, %scan3A_10 : i32
    %scan3A_12 = arith.constant 1 : i32
    scf.for %scan3A_26 = %scan3A_9 to %scan3A_11 step %scan3A_12  : i32 {
      %mul3A_27 = arith.constant 32 : i32
      %mul3A_28 = arith.muli %scan3A_26, %mul3A_27 : i32
      %and3A = arith.constant 1 : i32
      %and3A_29 = arith.andi %scan3A_26, %and3A : i32
      %mul3A_30 = arith.constant 32 : i32
      %mul3A_31 = arith.muli %and3A_29, %mul3A_30 : i32
      %and3A_32 = arith.constant 1 : i32
      %and3A_33 = arith.andi %scan3A_26, %and3A_32 : i32
      %dma_start3A = arith.constant 0 : i32
      %dma_start3A_34 = tpu.memref_slice %arg5[%mul3A_31, %dma_start3A] : memref<64x1024xf32, #tpu.memory_space<vmem>> -> memref<32x1024xf32, #tpu.memory_space<vmem>>
      %dma_start3A_35 = tpu.memref_slice %arg4[%mul3A_28] : memref<256xi32, #tpu.memory_space<vmem>> -> memref<32xi32, #tpu.memory_space<vmem>>
      %dma_start3A_36 = arith.constant 0 : i32
      %dma_start3A_37 = arith.constant 0 : i32
      %dma_start3A_38 = tpu.memref_slice %arg2[%dma_start3A_36, %dma_start3A_37] : memref<16384x1024xf32, #tpu.memory_space<hbm>> -> memref<16384x1024xf32, #tpu.memory_space<hbm>>
      %dma_start3A_39 = tpu.memref_slice %arg6[%and3A_33] : memref<2x!tpu.dma_semaphore, #tpu.memory_space<semaphore_mem>> -> memref<1x!tpu.dma_semaphore, #tpu.memory_space<semaphore_mem>>
      %dma_start3A_40 = tpu.memref_squeeze %dma_start3A_39 : memref<1x!tpu.dma_semaphore, #tpu.memory_space<semaphore_mem>> -> memref<!tpu.dma_semaphore, #tpu.memory_space<semaphore_mem>>
      tpu.enqueue_indirect_dma source(%dma_start3A_38 : memref<16384x1024xf32, #tpu.memory_space<hbm>>) target(%dma_start3A_34 : memref<32x1024xf32, #tpu.memory_space<vmem>>) offsets(%dma_start3A_35 : memref<32xi32, #tpu.memory_space<vmem>>) semaphore(%dma_start3A_40 : memref<!tpu.dma_semaphore, #tpu.memory_space<semaphore_mem>>)
    }
    %scan3A_13 = arith.constant 2 : i32
    %scan3A_14 = arith.constant 0 : i32
    %scan3A_15 = arith.constant 0 : i32
    %scan3A_16 = arith.constant 8 : i32
    %scan3A_17 = arith.addi %scan3A_15, %scan3A_16 : i32
    %scan3A_18 = arith.constant 1 : i32
    scf.for %scan3A_26 = %scan3A_15 to %scan3A_17 step %scan3A_18  : i32 {
      %mul3A_27 = arith.constant 32 : i32
      %mul3A_28 = arith.muli %scan3A_26, %mul3A_27 : i32
      %and3A = arith.constant 1 : i32
      %and3A_29 = arith.andi %scan3A_26, %and3A : i32
      %mul3A_30 = arith.constant 32 : i32
      %mul3A_31 = arith.muli %and3A_29, %mul3A_30 : i32
      %and3A_32 = arith.constant 1 : i32
      %and3A_33 = arith.andi %scan3A_26, %and3A_32 : i32
      %dma_wait3A = arith.constant 0 : i32
      %dma_wait3A_34 = tpu.memref_slice %arg5[%mul3A_31, %dma_wait3A] : memref<64x1024xf32, #tpu.memory_space<vmem>> -> memref<32x1024xf32, #tpu.memory_space<vmem>>
      %dma_wait3A_35 = tpu.memref_slice %arg4[%mul3A_28] : memref<256xi32, #tpu.memory_space<vmem>> -> memref<32xi32, #tpu.memory_space<vmem>>
      %dma_wait3A_36 = arith.constant 0 : i32
      %dma_wait3A_37 = arith.constant 0 : i32
      %dma_wait3A_38 = tpu.memref_slice %arg2[%dma_wait3A_36, %dma_wait3A_37] : memref<16384x1024xf32, #tpu.memory_space<hbm>> -> memref<16384x1024xf32, #tpu.memory_space<hbm>>
      %dma_wait3A_39 = tpu.memref_slice %arg6[%and3A_33] : memref<2x!tpu.dma_semaphore, #tpu.memory_space<semaphore_mem>> -> memref<1x!tpu.dma_semaphore, #tpu.memory_space<semaphore_mem>>
      %dma_wait3A_40 = tpu.memref_squeeze %dma_wait3A_39 : memref<1x!tpu.dma_semaphore, #tpu.memory_space<semaphore_mem>> -> memref<!tpu.dma_semaphore, #tpu.memory_space<semaphore_mem>>
      tpu.wait_indirect_dma semaphore(%dma_wait3A_40 : memref<!tpu.dma_semaphore, #tpu.memory_space<semaphore_mem>>) src(%dma_wait3A_38 : memref<16384x1024xf32, #tpu.memory_space<hbm>>) dst(%dma_wait3A_34 : memref<32x1024xf32, #tpu.memory_space<vmem>>)
      %scan3A_41 = arith.constant 0 : i32
      %scan3A_42 = arith.constant 0 : i32
      %scan3A_43 = arith.constant 4 : i32
      %scan3A_44 = arith.addi %scan3A_42, %scan3A_43 : i32
      %scan3A_45 = arith.constant 1 : i32
      scf.for %scan3A_49 = %scan3A_42 to %scan3A_44 step %scan3A_45  : i32 {
        %and3A_50 = arith.constant 1 : i32
        %and3A_51 = arith.andi %scan3A_26, %and3A_50 : i32
        %mul3A_52 = arith.constant 32 : i32
        %mul3A_53 = arith.muli %and3A_51, %mul3A_52 : i32
        %mul3A_54 = arith.constant 8192 : i32
        %mul3A_55 = arith.muli %scan3A_49, %mul3A_54 : i32
        %add3A_56 = arith.addi %mul3A_55, %mul3A_2 : i32
        %mul3A_57 = arith.constant 32 : i32
        %mul3A_58 = arith.muli %scan3A_26, %mul3A_57 : i32
        %add3A_59 = arith.addi %add3A_56, %mul3A_58 : i32
        %and3A_60 = arith.constant 1 : i32
        %and3A_61 = arith.andi %scan3A_26, %and3A_60 : i32
        %dma_start3A = arith.constant 0 : i32
        %dma_start3A_62 = tpu.memref_slice %arg5[%mul3A_53, %dma_start3A] : memref<64x1024xf32, #tpu.memory_space<vmem>> -> memref<32x1024xf32, #tpu.memory_space<vmem>>
        %dma_start3A_63 = arith.constant 0 : i32
        %dma_start3A_64 = tpu.memref_slice %arg3[%add3A_59, %dma_start3A_63] : memref<32768x1024xf32, #tpu.memory_space<hbm>> -> memref<32x1024xf32, #tpu.memory_space<hbm>>
        %dma_start3A_65 = tpu.memref_slice %arg7[%and3A_61] : memref<2x!tpu.dma_semaphore, #tpu.memory_space<semaphore_mem>> -> memref<1x!tpu.dma_semaphore, #tpu.memory_space<semaphore_mem>>
        %dma_start3A_66 = tpu.memref_squeeze %dma_start3A_65 : memref<1x!tpu.dma_semaphore, #tpu.memory_space<semaphore_mem>> -> memref<!tpu.dma_semaphore, #tpu.memory_space<semaphore_mem>>
        %dma_start3A_67 = arith.constant 0 : i32
        %dma_start3A_68 = tpu.memref_slice %arg3[%add3A_59, %dma_start3A_67] : memref<32768x1024xf32, #tpu.memory_space<hbm>> -> memref<32x1024xf32, #tpu.memory_space<hbm>>
        %dma_start3A_69 = arith.constant 0 : i32
        %dma_start3A_70 = tpu.memref_slice %arg5[%mul3A_53, %dma_start3A_69] : memref<64x1024xf32, #tpu.memory_space<vmem>> -> memref<32x1024xf32, #tpu.memory_space<vmem>>
        tpu.enqueue_dma source(%dma_start3A_70 : memref<32x1024xf32, #tpu.memory_space<vmem>>) target(%dma_start3A_68 : memref<32x1024xf32, #tpu.memory_space<hbm>>) target_semaphore(%dma_start3A_66 : memref<!tpu.dma_semaphore, #tpu.memory_space<semaphore_mem>>)
      }
      %scan3A_46 = arith.constant 4 : i32
      %lt3A = arith.constant 6 : i32
      %lt3A_47 = arith.cmpi slt, %scan3A_26, %lt3A : i32
      %convert_element_type3A = arith.extui %lt3A_47 : i1 to i32
      %cond3A = arith.constant 0 : i32
      %cond3A_48 = arith.cmpi ne, %convert_element_type3A, %cond3A : i32
      scf.if %cond3A_48 {
        %scan3A_49 = arith.constant 0 : i32
        %scan3A_50 = arith.constant 0 : i32
        %scan3A_51 = arith.constant 4 : i32
        %scan3A_52 = arith.addi %scan3A_50, %scan3A_51 : i32
        %scan3A_53 = arith.constant 1 : i32
        scf.for %scan3A_72 = %scan3A_50 to %scan3A_52 step %scan3A_53  : i32 {
          %and3A_73 = arith.constant 1 : i32
          %and3A_74 = arith.andi %scan3A_26, %and3A_73 : i32
          %mul3A_75 = arith.constant 32 : i32
          %mul3A_76 = arith.muli %and3A_74, %mul3A_75 : i32
          %mul3A_77 = arith.constant 8192 : i32
          %mul3A_78 = arith.muli %scan3A_72, %mul3A_77 : i32
          %add3A_79 = arith.addi %mul3A_78, %mul3A_2 : i32
          %mul3A_80 = arith.constant 32 : i32
          %mul3A_81 = arith.muli %scan3A_26, %mul3A_80 : i32
          %add3A_82 = arith.addi %add3A_79, %mul3A_81 : i32
          %and3A_83 = arith.constant 1 : i32
          %and3A_84 = arith.andi %scan3A_26, %and3A_83 : i32
          %dma_wait3A_85 = arith.constant 0 : i32
          %dma_wait3A_86 = tpu.memref_slice %arg5[%mul3A_76, %dma_wait3A_85] : memref<64x1024xf32, #tpu.memory_space<vmem>> -> memref<32x1024xf32, #tpu.memory_space<vmem>>
          %dma_wait3A_87 = arith.constant 0 : i32
          %dma_wait3A_88 = tpu.memref_slice %arg3[%add3A_82, %dma_wait3A_87] : memref<32768x1024xf32, #tpu.memory_space<hbm>> -> memref<32x1024xf32, #tpu.memory_space<hbm>>
          %dma_wait3A_89 = tpu.memref_slice %arg7[%and3A_84] : memref<2x!tpu.dma_semaphore, #tpu.memory_space<semaphore_mem>> -> memref<1x!tpu.dma_semaphore, #tpu.memory_space<semaphore_mem>>
          %dma_wait3A_90 = tpu.memref_squeeze %dma_wait3A_89 : memref<1x!tpu.dma_semaphore, #tpu.memory_space<semaphore_mem>> -> memref<!tpu.dma_semaphore, #tpu.memory_space<semaphore_mem>>
          %dma_wait3A_91 = arith.constant 0 : i32
          %dma_wait3A_92 = tpu.memref_slice %arg3[%add3A_82, %dma_wait3A_91] : memref<32768x1024xf32, #tpu.memory_space<hbm>> -> memref<32x1024xf32, #tpu.memory_space<hbm>>
          %dma_wait3A_93 = arith.constant 0 : i32
          %dma_wait3A_94 = tpu.memref_slice %arg5[%mul3A_76, %dma_wait3A_93] : memref<64x1024xf32, #tpu.memory_space<vmem>> -> memref<32x1024xf32, #tpu.memory_space<vmem>>
          tpu.wait_dma2 semaphore(%dma_wait3A_90 : memref<!tpu.dma_semaphore, #tpu.memory_space<semaphore_mem>>) src(%dma_wait3A_94 : memref<32x1024xf32, #tpu.memory_space<vmem>>) dst(%dma_wait3A_92 : memref<32x1024xf32, #tpu.memory_space<hbm>>)
        }
        %scan3A_54 = arith.constant 4 : i32
        %add3A_55 = arith.constant 2 : i32
        %add3A_56 = arith.addi %scan3A_26, %add3A_55 : i32
        %mul3A_57 = arith.constant 32 : i32
        %mul3A_58 = arith.muli %add3A_56, %mul3A_57 : i32
        %and3A_59 = arith.constant 1 : i32
        %and3A_60 = arith.andi %add3A_56, %and3A_59 : i32
        %mul3A_61 = arith.constant 32 : i32
        %mul3A_62 = arith.muli %and3A_60, %mul3A_61 : i32
        %and3A_63 = arith.constant 1 : i32
        %and3A_64 = arith.andi %add3A_56, %and3A_63 : i32
        %dma_start3A = arith.constant 0 : i32
        %dma_start3A_65 = tpu.memref_slice %arg5[%mul3A_62, %dma_start3A] : memref<64x1024xf32, #tpu.memory_space<vmem>> -> memref<32x1024xf32, #tpu.memory_space<vmem>>
        %dma_start3A_66 = tpu.memref_slice %arg4[%mul3A_58] : memref<256xi32, #tpu.memory_space<vmem>> -> memref<32xi32, #tpu.memory_space<vmem>>
        %dma_start3A_67 = arith.constant 0 : i32
        %dma_start3A_68 = arith.constant 0 : i32
        %dma_start3A_69 = tpu.memref_slice %arg2[%dma_start3A_67, %dma_start3A_68] : memref<16384x1024xf32, #tpu.memory_space<hbm>> -> memref<16384x1024xf32, #tpu.memory_space<hbm>>
        %dma_start3A_70 = tpu.memref_slice %arg6[%and3A_64] : memref<2x!tpu.dma_semaphore, #tpu.memory_space<semaphore_mem>> -> memref<1x!tpu.dma_semaphore, #tpu.memory_space<semaphore_mem>>
        %dma_start3A_71 = tpu.memref_squeeze %dma_start3A_70 : memref<1x!tpu.dma_semaphore, #tpu.memory_space<semaphore_mem>> -> memref<!tpu.dma_semaphore, #tpu.memory_space<semaphore_mem>>
        tpu.enqueue_indirect_dma source(%dma_start3A_69 : memref<16384x1024xf32, #tpu.memory_space<hbm>>) target(%dma_start3A_65 : memref<32x1024xf32, #tpu.memory_space<vmem>>) offsets(%dma_start3A_66 : memref<32xi32, #tpu.memory_space<vmem>>) semaphore(%dma_start3A_71 : memref<!tpu.dma_semaphore, #tpu.memory_space<semaphore_mem>>)
      } else {
      }
    }
    %scan3A_19 = arith.constant 8 : i32
    %scan3A_20 = arith.constant 0 : i32
    %scan3A_21 = arith.constant 0 : i32
    %scan3A_22 = arith.constant 2 : i32
    %scan3A_23 = arith.addi %scan3A_21, %scan3A_22 : i32
    %scan3A_24 = arith.constant 1 : i32
    scf.for %scan3A_26 = %scan3A_21 to %scan3A_23 step %scan3A_24  : i32 {
      %add3A_27 = arith.constant 6 : i32
      %add3A_28 = arith.addi %add3A_27, %scan3A_26 : i32
      %scan3A_29 = arith.constant 0 : i32
      %scan3A_30 = arith.constant 0 : i32
      %scan3A_31 = arith.constant 4 : i32
      %scan3A_32 = arith.addi %scan3A_30, %scan3A_31 : i32
      %scan3A_33 = arith.constant 1 : i32
      scf.for %scan3A_35 = %scan3A_30 to %scan3A_32 step %scan3A_33  : i32 {
        %and3A = arith.constant 1 : i32
        %and3A_36 = arith.andi %add3A_28, %and3A : i32
        %mul3A_37 = arith.constant 32 : i32
        %mul3A_38 = arith.muli %and3A_36, %mul3A_37 : i32
        %mul3A_39 = arith.constant 8192 : i32
        %mul3A_40 = arith.muli %scan3A_35, %mul3A_39 : i32
        %add3A_41 = arith.addi %mul3A_40, %mul3A_2 : i32
        %mul3A_42 = arith.constant 32 : i32
        %mul3A_43 = arith.muli %add3A_28, %mul3A_42 : i32
        %add3A_44 = arith.addi %add3A_41, %mul3A_43 : i32
        %and3A_45 = arith.constant 1 : i32
        %and3A_46 = arith.andi %add3A_28, %and3A_45 : i32
        %dma_wait3A = arith.constant 0 : i32
        %dma_wait3A_47 = tpu.memref_slice %arg5[%mul3A_38, %dma_wait3A] : memref<64x1024xf32, #tpu.memory_space<vmem>> -> memref<32x1024xf32, #tpu.memory_space<vmem>>
        %dma_wait3A_48 = arith.constant 0 : i32
        %dma_wait3A_49 = tpu.memref_slice %arg3[%add3A_44, %dma_wait3A_48] : memref<32768x1024xf32, #tpu.memory_space<hbm>> -> memref<32x1024xf32, #tpu.memory_space<hbm>>
        %dma_wait3A_50 = tpu.memref_slice %arg7[%and3A_46] : memref<2x!tpu.dma_semaphore, #tpu.memory_space<semaphore_mem>> -> memref<1x!tpu.dma_semaphore, #tpu.memory_space<semaphore_mem>>
        %dma_wait3A_51 = tpu.memref_squeeze %dma_wait3A_50 : memref<1x!tpu.dma_semaphore, #tpu.memory_space<semaphore_mem>> -> memref<!tpu.dma_semaphore, #tpu.memory_space<semaphore_mem>>
        %dma_wait3A_52 = arith.constant 0 : i32
        %dma_wait3A_53 = tpu.memref_slice %arg3[%add3A_44, %dma_wait3A_52] : memref<32768x1024xf32, #tpu.memory_space<hbm>> -> memref<32x1024xf32, #tpu.memory_space<hbm>>
        %dma_wait3A_54 = arith.constant 0 : i32
        %dma_wait3A_55 = tpu.memref_slice %arg5[%mul3A_38, %dma_wait3A_54] : memref<64x1024xf32, #tpu.memory_space<vmem>> -> memref<32x1024xf32, #tpu.memory_space<vmem>>
        tpu.wait_dma2 semaphore(%dma_wait3A_51 : memref<!tpu.dma_semaphore, #tpu.memory_space<semaphore_mem>>) src(%dma_wait3A_55 : memref<32x1024xf32, #tpu.memory_space<vmem>>) dst(%dma_wait3A_53 : memref<32x1024xf32, #tpu.memory_space<hbm>>)
      }
      %scan3A_34 = arith.constant 4 : i32
    }
    %scan3A_25 = arith.constant 2 : i32
    return
  }
}

#map = affine_map<(d0, d1) -> (0)>
#map1 = affine_map<(d0, d1) -> (0, 0)>
module attributes {stable_mosaic.version = 14 : i64} {
  func.func @_emb_gather_full(%arg0: i32, %arg1: i32, %arg2: memref<32768xi32, #tpu.memory_space<hbm>>, %arg3: memref<16384x1024xf32, #tpu.memory_space<hbm>>, %arg4: memref<32768x1024xf32, #tpu.memory_space<hbm>>, %arg5: memref<1024xi32, #tpu.memory_space<vmem>>, %arg6: memref<1024xi32, #tpu.memory_space<vmem>>, %arg7: memref<32x1024xf32, #tpu.memory_space<vmem>>, %arg8: memref<32x1024xf32, #tpu.memory_space<vmem>>, %arg9: memref<!tpu.dma_semaphore, #tpu.memory_space<semaphore_mem>>, %arg10: memref<!tpu.dma_semaphore, #tpu.memory_space<semaphore_mem>>, %arg11: memref<!tpu.dma_semaphore, #tpu.memory_space<semaphore_mem>>, %arg12: memref<!tpu.dma_semaphore, #tpu.memory_space<semaphore_mem>>) attributes {dimension_semantics = [#tpu.dimension_semantics<core_parallel>, #tpu.dimension_semantics<subcore_parallel>], iteration_bounds = array<i64: 2, 16>, scalar_prefetch = 0 : i64, scratch_operands = 8 : i64, tpu.core_type = #tpu.core_type<sc_vector_subcore>, window_params = [{transform_indices = #map}, {transform_indices = #map1}, {transform_indices = #map1}]} {
    %mul3A = arith.constant 2 : i32
    %mul3A_0 = arith.muli %arg1, %mul3A : i32
    %add3A = arith.addi %mul3A_0, %arg0 : i32
    %mul3A_1 = arith.constant 1024 : i32
    %mul3A_2 = arith.muli %add3A, %mul3A_1 : i32
    "tpu.region"() ({
      %run_scoped3A = tpu.sem_alloc : memref<!tpu.dma_semaphore, #tpu.memory_space<semaphore_mem>>
      %dma_start3A_34 = tpu.memref_slice %arg2[%mul3A_2] : memref<32768xi32, #tpu.memory_space<hbm>> -> memref<1024xi32, #tpu.memory_space<hbm>>
      %dma_start3A_35 = tpu.memref_slice %arg2[%mul3A_2] : memref<32768xi32, #tpu.memory_space<hbm>> -> memref<1024xi32, #tpu.memory_space<hbm>>
      tpu.enqueue_dma source(%dma_start3A_35 : memref<1024xi32, #tpu.memory_space<hbm>>) target(%arg5 : memref<1024xi32, #tpu.memory_space<vmem>>) target_semaphore(%run_scoped3A : memref<!tpu.dma_semaphore, #tpu.memory_space<semaphore_mem>>)
      %dma_wait3A_36 = tpu.memref_slice %arg2[%mul3A_2] : memref<32768xi32, #tpu.memory_space<hbm>> -> memref<1024xi32, #tpu.memory_space<hbm>>
      %dma_wait3A_37 = tpu.memref_slice %arg2[%mul3A_2] : memref<32768xi32, #tpu.memory_space<hbm>> -> memref<1024xi32, #tpu.memory_space<hbm>>
      tpu.wait_dma2 semaphore(%run_scoped3A : memref<!tpu.dma_semaphore, #tpu.memory_space<semaphore_mem>>) src(%dma_wait3A_37 : memref<1024xi32, #tpu.memory_space<hbm>>) dst(%arg5 : memref<1024xi32, #tpu.memory_space<vmem>>)
      tpu.yield
    }) : () -> ()
    %scan3A = arith.constant 0 : i32
    %scan3A_3 = arith.constant 0 : i32
    %scan3A_4 = arith.constant 64 : i32
    %scan3A_5 = arith.addi %scan3A_3, %scan3A_4 : i32
    %scan3A_6 = arith.constant 1 : i32
    scf.for %scan3A_34 = %scan3A_3 to %scan3A_5 step %scan3A_6  : i32 {
      %mul3A_35 = arith.constant 16 : i32
      %mul3A_36 = arith.muli %scan3A_34, %mul3A_35 : i32
      %get3A = arith.index_cast %mul3A_36 : i32 to index
      %get3A_37 = tpu.vector_load %arg5[%get3A] {strides = array<i32>} : memref<1024xi32, #tpu.memory_space<vmem>>, vector<16xi32>,
      %get3A_38 = vector.shape_cast %get3A_37 : vector<16xi32> to vector<16xi32>
      %add3A_39 = arith.addi %mul3A_2, %mul3A_36 : i32
      %iota3A = tpu.iota {dimensions = array<i32: 0>} : vector<16xi32>
      %add3A_40 = vector.broadcast %add3A_39 : i32 to vector<16xi32>
      %add3A_41 = arith.addi %add3A_40, %iota3A : vector<16xi32>
      %and3A = arith.constant 8191 : i32
      %and3A_42 = vector.broadcast %and3A : i32 to vector<16xi32>
      %and3A_43 = arith.andi %add3A_41, %and3A_42 : vector<16xi32>
      %broadcast_in_dim3A = arith.constant 1 : i32
      %broadcast_in_dim3A_44 = vector.broadcast %broadcast_in_dim3A : i32 to vector<16xi32>
      %ne3A = arith.constant 1 : i32
      %ne3A_45 = vector.broadcast %ne3A : i32 to vector<16xi32>
      %ne3A_46 = arith.cmpi ne, %get3A_38, %ne3A_45 : vector<16xi32>
      %add3A_47 = arith.constant 2 : i32
      %add3A_48 = vector.broadcast %add3A_47 : i32 to vector<16xi32>
      %add3A_49 = arith.addi %and3A_43, %add3A_48 : vector<16xi32>
      %select_n3A = arith.select %ne3A_46, %add3A_49, %broadcast_in_dim3A_44 : vector<16xi1>, vector<16xi32>
      %swap3A = arith.index_cast %mul3A_36 : i32 to index
      %swap3A_50 = tpu.vector_load %arg6[%swap3A] {strides = array<i32>} : memref<1024xi32, #tpu.memory_space<vmem>>, vector<16xi32>,
      %swap3A_51 = vector.shape_cast %swap3A_50 : vector<16xi32> to vector<16xi32>
      %swap3A_52 = vector.shape_cast %select_n3A : vector<16xi32> to vector<16xi32>
      tpu.vector_store %arg6[%swap3A], %swap3A_52 {strides = array<i32>} : memref<1024xi32, #tpu.memory_space<vmem>>, vector<16xi32>,
    }
    %scan3A_7 = arith.constant 64 : i32
    %dma_start3A = arith.constant 0 : i32
    %dma_start3A_8 = tpu.memref_slice %arg6[%dma_start3A] : memref<1024xi32, #tpu.memory_space<vmem>> -> memref<32xi32, #tpu.memory_space<vmem>>
    %dma_start3A_9 = arith.constant 0 : i32
    %dma_start3A_10 = arith.constant 0 : i32
    %dma_start3A_11 = tpu.memref_slice %arg3[%dma_start3A_9, %dma_start3A_10] : memref<16384x1024xf32, #tpu.memory_space<hbm>> -> memref<16384x1024xf32, #tpu.memory_space<hbm>>
    tpu.enqueue_indirect_dma source(%dma_start3A_11 : memref<16384x1024xf32, #tpu.memory_space<hbm>>) target(%arg7 : memref<32x1024xf32, #tpu.memory_space<vmem>>) offsets(%dma_start3A_8 : memref<32xi32, #tpu.memory_space<vmem>>) semaphore(%arg9 : memref<!tpu.dma_semaphore, #tpu.memory_space<semaphore_mem>>)
    %dma_start3A_12 = arith.constant 32 : i32
    %dma_start3A_13 = tpu.memref_slice %arg6[%dma_start3A_12] : memref<1024xi32, #tpu.memory_space<vmem>> -> memref<32xi32, #tpu.memory_space<vmem>>
    %dma_start3A_14 = arith.constant 0 : i32
    %dma_start3A_15 = arith.constant 0 : i32
    %dma_start3A_16 = tpu.memref_slice %arg3[%dma_start3A_14, %dma_start3A_15] : memref<16384x1024xf32, #tpu.memory_space<hbm>> -> memref<16384x1024xf32, #tpu.memory_space<hbm>>
    tpu.enqueue_indirect_dma source(%dma_start3A_16 : memref<16384x1024xf32, #tpu.memory_space<hbm>>) target(%arg8 : memref<32x1024xf32, #tpu.memory_space<vmem>>) offsets(%dma_start3A_13 : memref<32xi32, #tpu.memory_space<vmem>>) semaphore(%arg10 : memref<!tpu.dma_semaphore, #tpu.memory_space<semaphore_mem>>)
    %scan3A_17 = arith.constant 0 : i32
    %scan3A_18 = arith.constant 0 : i32
    %scan3A_19 = arith.constant 16 : i32
    %scan3A_20 = arith.addi %scan3A_18, %scan3A_19 : i32
    %scan3A_21 = arith.constant 1 : i32
    scf.for %scan3A_34 = %scan3A_18 to %scan3A_20 step %scan3A_21  : i32 {
      %mul3A_35 = arith.constant 2 : i32
      %mul3A_36 = arith.muli %mul3A_35, %scan3A_34 : i32
      %add3A_37 = arith.constant 1 : i32
      %add3A_38 = arith.addi %mul3A_36, %add3A_37 : i32
      %mul3A_39 = arith.constant 32 : i32
      %mul3A_40 = arith.muli %mul3A_36, %mul3A_39 : i32
      %dma_wait3A_41 = tpu.memref_slice %arg6[%mul3A_40] : memref<1024xi32, #tpu.memory_space<vmem>> -> memref<32xi32, #tpu.memory_space<vmem>>
      %dma_wait3A_42 = arith.constant 0 : i32
      %dma_wait3A_43 = arith.constant 0 : i32
      %dma_wait3A_44 = tpu.memref_slice %arg3[%dma_wait3A_42, %dma_wait3A_43] : memref<16384x1024xf32, #tpu.memory_space<hbm>> -> memref<16384x1024xf32, #tpu.memory_space<hbm>>
      tpu.wait_indirect_dma semaphore(%arg9 : memref<!tpu.dma_semaphore, #tpu.memory_space<semaphore_mem>>) src(%dma_wait3A_44 : memref<16384x1024xf32, #tpu.memory_space<hbm>>) dst(%arg7 : memref<32x1024xf32, #tpu.memory_space<vmem>>)
      %mul3A_45 = arith.constant 32 : i32
      %mul3A_46 = arith.muli %mul3A_36, %mul3A_45 : i32
      %add3A_47 = arith.addi %mul3A_2, %mul3A_46 : i32
      %dma_start3A_48 = arith.constant 0 : i32
      %dma_start3A_49 = tpu.memref_slice %arg4[%add3A_47, %dma_start3A_48] : memref<32768x1024xf32, #tpu.memory_space<hbm>> -> memref<32x1024xf32, #tpu.memory_space<hbm>>
      %dma_start3A_50 = arith.constant 0 : i32
      %dma_start3A_51 = tpu.memref_slice %arg4[%add3A_47, %dma_start3A_50] : memref<32768x1024xf32, #tpu.memory_space<hbm>> -> memref<32x1024xf32, #tpu.memory_space<hbm>>
      tpu.enqueue_dma source(%arg7 : memref<32x1024xf32, #tpu.memory_space<vmem>>) target(%dma_start3A_51 : memref<32x1024xf32, #tpu.memory_space<hbm>>) target_semaphore(%arg11 : memref<!tpu.dma_semaphore, #tpu.memory_space<semaphore_mem>>)
      %mul3A_52 = arith.constant 32 : i32
      %mul3A_53 = arith.muli %add3A_38, %mul3A_52 : i32
      %dma_wait3A_54 = tpu.memref_slice %arg6[%mul3A_53] : memref<1024xi32, #tpu.memory_space<vmem>> -> memref<32xi32, #tpu.memory_space<vmem>>
      %dma_wait3A_55 = arith.constant 0 : i32
      %dma_wait3A_56 = arith.constant 0 : i32
      %dma_wait3A_57 = tpu.memref_slice %arg3[%dma_wait3A_55, %dma_wait3A_56] : memref<16384x1024xf32, #tpu.memory_space<hbm>> -> memref<16384x1024xf32, #tpu.memory_space<hbm>>
      tpu.wait_indirect_dma semaphore(%arg10 : memref<!tpu.dma_semaphore, #tpu.memory_space<semaphore_mem>>) src(%dma_wait3A_57 : memref<16384x1024xf32, #tpu.memory_space<hbm>>) dst(%arg8 : memref<32x1024xf32, #tpu.memory_space<vmem>>)
      %mul3A_58 = arith.constant 32 : i32
      %mul3A_59 = arith.muli %add3A_38, %mul3A_58 : i32
      %add3A_60 = arith.addi %mul3A_2, %mul3A_59 : i32
      %dma_start3A_61 = arith.constant 0 : i32
      %dma_start3A_62 = tpu.memref_slice %arg4[%add3A_60, %dma_start3A_61] : memref<32768x1024xf32, #tpu.memory_space<hbm>> -> memref<32x1024xf32, #tpu.memory_space<hbm>>
      %dma_start3A_63 = arith.constant 0 : i32
      %dma_start3A_64 = tpu.memref_slice %arg4[%add3A_60, %dma_start3A_63] : memref<32768x1024xf32, #tpu.memory_space<hbm>> -> memref<32x1024xf32, #tpu.memory_space<hbm>>
      tpu.enqueue_dma source(%arg8 : memref<32x1024xf32, #tpu.memory_space<vmem>>) target(%dma_start3A_64 : memref<32x1024xf32, #tpu.memory_space<hbm>>) target_semaphore(%arg12 : memref<!tpu.dma_semaphore, #tpu.memory_space<semaphore_mem>>)
      %lt3A = arith.constant 15 : i32
      %lt3A_65 = arith.cmpi slt, %scan3A_34, %lt3A : i32
      %convert_element_type3A = arith.extui %lt3A_65 : i1 to i32
      %cond3A = arith.constant 0 : i32
      %cond3A_66 = arith.cmpi ne, %convert_element_type3A, %cond3A : i32
      scf.if %cond3A_66 {
        %mul3A_67 = arith.constant 32 : i32
        %mul3A_68 = arith.muli %mul3A_36, %mul3A_67 : i32
        %add3A_69 = arith.addi %mul3A_2, %mul3A_68 : i32
        %dma_wait3A_70 = arith.constant 0 : i32
        %dma_wait3A_71 = tpu.memref_slice %arg4[%add3A_69, %dma_wait3A_70] : memref<32768x1024xf32, #tpu.memory_space<hbm>> -> memref<32x1024xf32, #tpu.memory_space<hbm>>
        %dma_wait3A_72 = arith.constant 0 : i32
        %dma_wait3A_73 = tpu.memref_slice %arg4[%add3A_69, %dma_wait3A_72] : memref<32768x1024xf32, #tpu.memory_space<hbm>> -> memref<32x1024xf32, #tpu.memory_space<hbm>>
        tpu.wait_dma2 semaphore(%arg11 : memref<!tpu.dma_semaphore, #tpu.memory_space<semaphore_mem>>) src(%arg7 : memref<32x1024xf32, #tpu.memory_space<vmem>>) dst(%dma_wait3A_73 : memref<32x1024xf32, #tpu.memory_space<hbm>>)
        %add3A_74 = arith.constant 2 : i32
        %add3A_75 = arith.addi %mul3A_36, %add3A_74 : i32
        %mul3A_76 = arith.constant 32 : i32
        %mul3A_77 = arith.muli %add3A_75, %mul3A_76 : i32
        %dma_start3A_78 = tpu.memref_slice %arg6[%mul3A_77] : memref<1024xi32, #tpu.memory_space<vmem>> -> memref<32xi32, #tpu.memory_space<vmem>>
        %dma_start3A_79 = arith.constant 0 : i32
        %dma_start3A_80 = arith.constant 0 : i32
        %dma_start3A_81 = tpu.memref_slice %arg3[%dma_start3A_79, %dma_start3A_80] : memref<16384x1024xf32, #tpu.memory_space<hbm>> -> memref<16384x1024xf32, #tpu.memory_space<hbm>>
        tpu.enqueue_indirect_dma source(%dma_start3A_81 : memref<16384x1024xf32, #tpu.memory_space<hbm>>) target(%arg7 : memref<32x1024xf32, #tpu.memory_space<vmem>>) offsets(%dma_start3A_78 : memref<32xi32, #tpu.memory_space<vmem>>) semaphore(%arg9 : memref<!tpu.dma_semaphore, #tpu.memory_space<semaphore_mem>>)
        %mul3A_82 = arith.constant 32 : i32
        %mul3A_83 = arith.muli %add3A_38, %mul3A_82 : i32
        %add3A_84 = arith.addi %mul3A_2, %mul3A_83 : i32
        %dma_wait3A_85 = arith.constant 0 : i32
        %dma_wait3A_86 = tpu.memref_slice %arg4[%add3A_84, %dma_wait3A_85] : memref<32768x1024xf32, #tpu.memory_space<hbm>> -> memref<32x1024xf32, #tpu.memory_space<hbm>>
        %dma_wait3A_87 = arith.constant 0 : i32
        %dma_wait3A_88 = tpu.memref_slice %arg4[%add3A_84, %dma_wait3A_87] : memref<32768x1024xf32, #tpu.memory_space<hbm>> -> memref<32x1024xf32, #tpu.memory_space<hbm>>
        tpu.wait_dma2 semaphore(%arg12 : memref<!tpu.dma_semaphore, #tpu.memory_space<semaphore_mem>>) src(%arg8 : memref<32x1024xf32, #tpu.memory_space<vmem>>) dst(%dma_wait3A_88 : memref<32x1024xf32, #tpu.memory_space<hbm>>)
        %add3A_89 = arith.constant 2 : i32
        %add3A_90 = arith.addi %add3A_38, %add3A_89 : i32
        %mul3A_91 = arith.constant 32 : i32
        %mul3A_92 = arith.muli %add3A_90, %mul3A_91 : i32
        %dma_start3A_93 = tpu.memref_slice %arg6[%mul3A_92] : memref<1024xi32, #tpu.memory_space<vmem>> -> memref<32xi32, #tpu.memory_space<vmem>>
        %dma_start3A_94 = arith.constant 0 : i32
        %dma_start3A_95 = arith.constant 0 : i32
        %dma_start3A_96 = tpu.memref_slice %arg3[%dma_start3A_94, %dma_start3A_95] : memref<16384x1024xf32, #tpu.memory_space<hbm>> -> memref<16384x1024xf32, #tpu.memory_space<hbm>>
        tpu.enqueue_indirect_dma source(%dma_start3A_96 : memref<16384x1024xf32, #tpu.memory_space<hbm>>) target(%arg8 : memref<32x1024xf32, #tpu.memory_space<vmem>>) offsets(%dma_start3A_93 : memref<32xi32, #tpu.memory_space<vmem>>) semaphore(%arg10 : memref<!tpu.dma_semaphore, #tpu.memory_space<semaphore_mem>>)
      } else {
      }
    }
    %scan3A_22 = arith.constant 16 : i32
    %add3A_23 = arith.constant 960 : i32
    %add3A_24 = arith.addi %mul3A_2, %add3A_23 : i32
    %dma_wait3A = arith.constant 0 : i32
    %dma_wait3A_25 = tpu.memref_slice %arg4[%add3A_24, %dma_wait3A] : memref<32768x1024xf32, #tpu.memory_space<hbm>> -> memref<32x1024xf32, #tpu.memory_space<hbm>>
    %dma_wait3A_26 = arith.constant 0 : i32
    %dma_wait3A_27 = tpu.memref_slice %arg4[%add3A_24, %dma_wait3A_26] : memref<32768x1024xf32, #tpu.memory_space<hbm>> -> memref<32x1024xf32, #tpu.memory_space<hbm>>
    tpu.wait_dma2 semaphore(%arg11 : memref<!tpu.dma_semaphore, #tpu.memory_space<semaphore_mem>>) src(%arg7 : memref<32x1024xf32, #tpu.memory_space<vmem>>) dst(%dma_wait3A_27 : memref<32x1024xf32, #tpu.memory_space<hbm>>)
    %add3A_28 = arith.constant 992 : i32
    %add3A_29 = arith.addi %mul3A_2, %add3A_28 : i32
    %dma_wait3A_30 = arith.constant 0 : i32
    %dma_wait3A_31 = tpu.memref_slice %arg4[%add3A_29, %dma_wait3A_30] : memref<32768x1024xf32, #tpu.memory_space<hbm>> -> memref<32x1024xf32, #tpu.memory_space<hbm>>
    %dma_wait3A_32 = arith.constant 0 : i32
    %dma_wait3A_33 = tpu.memref_slice %arg4[%add3A_29, %dma_wait3A_32] : memref<32768x1024xf32, #tpu.memory_space<hbm>> -> memref<32x1024xf32, #tpu.memory_space<hbm>>
    tpu.wait_dma2 semaphore(%arg12 : memref<!tpu.dma_semaphore, #tpu.memory_space<semaphore_mem>>) src(%arg8 : memref<32x1024xf32, #tpu.memory_space<vmem>>) dst(%dma_wait3A_33 : memref<32x1024xf32, #tpu.memory_space<hbm>>)
    return
  }
}

#map = affine_map<(d0, d1) -> (0, 0)>
#map1 = affine_map<(d0, d1) -> (0)>
module attributes {stable_mosaic.version = 14 : i64} {
  func.func @new_body(%arg0: i32, %arg1: i32, %arg2: memref<16384x1024xf32, #tpu.memory_space<hbm>>, %arg3: memref<256xi32, #tpu.memory_space<hbm>>, %arg4: memref<256xi32, #tpu.memory_space<hbm>>, %arg5: memref<32768x1024xf32, #tpu.memory_space<hbm>>, %arg6: memref<32768x1024xf32, #tpu.memory_space<hbm>>, %arg7: memref<8xi32, #tpu.memory_space<vmem>>, %arg8: memref<8xi32, #tpu.memory_space<vmem>>, %arg9: memref<8x1024xf32, #tpu.memory_space<vmem>>, %arg10: memref<!tpu.dma_semaphore, #tpu.memory_space<semaphore_mem>>) attributes {dimension_semantics = [#tpu.dimension_semantics<core_parallel>, #tpu.dimension_semantics<subcore_parallel>], iteration_bounds = array<i64: 2, 16>, scalar_prefetch = 0 : i64, scratch_operands = 4 : i64, tpu.core_type = #tpu.core_type<sc_vector_subcore>, window_params = [{transform_indices = #map}, {transform_indices = #map1}, {transform_indices = #map1}, {transform_indices = #map}, {transform_indices = #map}]} {
    %mul3A = arith.constant 2 : i32
    %mul3A_0 = arith.muli %arg1, %mul3A : i32
    %add3A = arith.addi %mul3A_0, %arg0 : i32
    %mul3A_1 = arith.constant 8 : i32
    %mul3A_2 = arith.muli %add3A, %mul3A_1 : i32
    %dma_start3A = tpu.memref_slice %arg3[%mul3A_2] : memref<256xi32, #tpu.memory_space<hbm>> -> memref<8xi32, #tpu.memory_space<hbm>>
    %dma_start3A_3 = tpu.memref_slice %arg3[%mul3A_2] : memref<256xi32, #tpu.memory_space<hbm>> -> memref<8xi32, #tpu.memory_space<hbm>>
    tpu.enqueue_dma source(%dma_start3A_3 : memref<8xi32, #tpu.memory_space<hbm>>) target(%arg7 : memref<8xi32, #tpu.memory_space<vmem>>) target_semaphore(%arg10 : memref<!tpu.dma_semaphore, #tpu.memory_space<semaphore_mem>>)
    %mul3A_4 = arith.constant 8 : i32
    %mul3A_5 = arith.muli %add3A, %mul3A_4 : i32
    %dma_start3A_6 = tpu.memref_slice %arg4[%mul3A_5] : memref<256xi32, #tpu.memory_space<hbm>> -> memref<8xi32, #tpu.memory_space<hbm>>
    %dma_start3A_7 = tpu.memref_slice %arg4[%mul3A_5] : memref<256xi32, #tpu.memory_space<hbm>> -> memref<8xi32, #tpu.memory_space<hbm>>
    tpu.enqueue_dma source(%dma_start3A_7 : memref<8xi32, #tpu.memory_space<hbm>>) target(%arg8 : memref<8xi32, #tpu.memory_space<vmem>>) target_semaphore(%arg10 : memref<!tpu.dma_semaphore, #tpu.memory_space<semaphore_mem>>)
    %mul3A_8 = arith.constant 8 : i32
    %mul3A_9 = arith.muli %add3A, %mul3A_8 : i32
    %dma_wait3A = tpu.memref_slice %arg3[%mul3A_9] : memref<256xi32, #tpu.memory_space<hbm>> -> memref<8xi32, #tpu.memory_space<hbm>>
    %dma_wait3A_10 = tpu.memref_slice %arg3[%mul3A_9] : memref<256xi32, #tpu.memory_space<hbm>> -> memref<8xi32, #tpu.memory_space<hbm>>
    tpu.wait_dma2 semaphore(%arg10 : memref<!tpu.dma_semaphore, #tpu.memory_space<semaphore_mem>>) src(%dma_wait3A_10 : memref<8xi32, #tpu.memory_space<hbm>>) dst(%arg7 : memref<8xi32, #tpu.memory_space<vmem>>)
    %mul3A_11 = arith.constant 8 : i32
    %mul3A_12 = arith.muli %add3A, %mul3A_11 : i32
    %dma_wait3A_13 = tpu.memref_slice %arg4[%mul3A_12] : memref<256xi32, #tpu.memory_space<hbm>> -> memref<8xi32, #tpu.memory_space<hbm>>
    %dma_wait3A_14 = tpu.memref_slice %arg4[%mul3A_12] : memref<256xi32, #tpu.memory_space<hbm>> -> memref<8xi32, #tpu.memory_space<hbm>>
    tpu.wait_dma2 semaphore(%arg10 : memref<!tpu.dma_semaphore, #tpu.memory_space<semaphore_mem>>) src(%dma_wait3A_14 : memref<8xi32, #tpu.memory_space<hbm>>) dst(%arg8 : memref<8xi32, #tpu.memory_space<vmem>>)
    %dma_start3A_15 = arith.constant 0 : i32
    %dma_start3A_16 = arith.constant 0 : i32
    %dma_start3A_17 = tpu.memref_slice %arg2[%dma_start3A_15, %dma_start3A_16] : memref<16384x1024xf32, #tpu.memory_space<hbm>> -> memref<16384x1024xf32, #tpu.memory_space<hbm>>
    tpu.enqueue_indirect_dma source(%dma_start3A_17 : memref<16384x1024xf32, #tpu.memory_space<hbm>>) target(%arg9 : memref<8x1024xf32, #tpu.memory_space<vmem>>) offsets(%arg8 : memref<8xi32, #tpu.memory_space<vmem>>) semaphore(%arg10 : memref<!tpu.dma_semaphore, #tpu.memory_space<semaphore_mem>>)
    %dma_wait3A_18 = arith.constant 0 : i32
    %dma_wait3A_19 = arith.constant 0 : i32
    %dma_wait3A_20 = tpu.memref_slice %arg2[%dma_wait3A_18, %dma_wait3A_19] : memref<16384x1024xf32, #tpu.memory_space<hbm>> -> memref<16384x1024xf32, #tpu.memory_space<hbm>>
    tpu.wait_indirect_dma semaphore(%arg10 : memref<!tpu.dma_semaphore, #tpu.memory_space<semaphore_mem>>) src(%dma_wait3A_20 : memref<16384x1024xf32, #tpu.memory_space<hbm>>) dst(%arg9 : memref<8x1024xf32, #tpu.memory_space<vmem>>)
    %dma_start3A_21 = arith.constant 0 : i32
    %dma_start3A_22 = arith.constant 0 : i32
    %dma_start3A_23 = tpu.memref_slice %arg5[%dma_start3A_21, %dma_start3A_22] : memref<32768x1024xf32, #tpu.memory_space<hbm>> -> memref<32768x1024xf32, #tpu.memory_space<hbm>>
    tpu.enqueue_indirect_dma source(%arg9 : memref<8x1024xf32, #tpu.memory_space<vmem>>) target(%dma_start3A_23 : memref<32768x1024xf32, #tpu.memory_space<hbm>>) offsets(%arg7 : memref<8xi32, #tpu.memory_space<vmem>>) semaphore(%arg10 : memref<!tpu.dma_semaphore, #tpu.memory_space<semaphore_mem>>)
    %dma_wait3A_24 = arith.constant 0 : i32
    %dma_wait3A_25 = arith.constant 0 : i32
    %dma_wait3A_26 = tpu.memref_slice %arg5[%dma_wait3A_24, %dma_wait3A_25] : memref<32768x1024xf32, #tpu.memory_space<hbm>> -> memref<32768x1024xf32, #tpu.memory_space<hbm>>
    tpu.wait_indirect_dma semaphore(%arg10 : memref<!tpu.dma_semaphore, #tpu.memory_space<semaphore_mem>>) src(%arg9 : memref<8x1024xf32, #tpu.memory_space<vmem>>) dst(%dma_wait3A_26 : memref<32768x1024xf32, #tpu.memory_space<hbm>>)
    return
  }
}

</mosaic_0001>

<sc_bundles>
// kernel: branch_1_fun.3.cloned.1.call-start
scs
__scs_entry_jumppad:
0x0: {  	(pc) =	sbr.rel $0x88, $3  }
0x1: {  	(tag) =	ssettag $0x0;
	lr =	simm.s32 $0x1  }
0x2: {  	[smem:$0x3F9F] =	sst lr;
	_ =	strace $0xD0000000  }
0x3: {  	_ = 	snop  }
0x4: {  	_ = 	snop  }
0x5: {  	_ = 	snop  }
0x6: {  	_ = 	snop  }
0x7: {  	_ = 	snop  }
__scs_overlays_trampoline_lowered:
0x8: {  	[smem:$0x3FAE] =	sst s0  }
0x9: {  	[smem:$0x3FAF] =	sst s1  }
0xa: {  	[smem:$0x3FB0] =	sst s2  }
0xb: {  	[smem:$0x3FB1] =	sst s3  }
0xc: {  	[smem:$0x3FB2] =	sst s4  }
0xd: {  	[smem:$0x3FB3] =	sst s5  }
0xe: {  	[smem:$0x3FB4] =	sst s6  }
0xf: {  	[smem:$0x3FB5] =	sst s7  }
0x10: {  	[smem:$0x3FB6] =	sst s8  }
0x11: {  	[smem:$0x3FB7] =	sst s9;
	s0 =	simm.s32 @!p0 $0x0  }
0x12: {  	s1 =	sld [smem:$0x3F9D];
	s0 =	simm.s32 @p0 $0x1  }
0x13: {  	[smem:$0x3FB8] =	sst s0;
	s0 =	simm.s32 @!p1 $0x0  }
0x14: {  	s2 =	sld [smem:$0x3F9C];
	s0 =	simm.s32 @p1 $0x1  }
0x15: {  	[smem:$0x3FB9] =	sst s0;
	s0 =	simm.s32 @!p2 $0x0  }
0x16: {  	s3 =	sld [smem:$0x3FDB];
	s0 =	simm.s32 @p2 $0x1  }
0x17: {  	s4 =	simm.s32 $0x1BF5;
	[smem:$0x3FBB] =	sst s0  }
0x18: {  	s0 =	sld [smem:$0x3F9E];
	_ =	swait.ge [sflag:s4], $0x0  }
0x19: {  	s7 =	sld [smem:$0x3F9F]  }
0x1a: {  	s8 =	sadd.s32 $0xFFFFE003, lr  }
0x1b: {  	s9 =	sadd.s32 $0xFFFFFEF7, lr;
	s5 =	simm.s32 $0xFFFFFFFF;
	p2 =	slt.u32 s8, $0xFFFFF086  }
0x1c: {  	p1 =	slt.u32 s9, $0xF7A;
	s5 =	simm.s32 @!p2 $0x0  }
0x1d: {  	s5 =	simm.s32 @p1 $0x1;
	p0 =	seq.s32 s7, s2  }
0x1e: {  	s7 =	smul.u32 @!p0 $0xF7A, s2;
	p2 =	seq.s32 @!p0 s5, $0x0  }
0x1f: {  	s9 =	smul.u32 $0xF7A, s1;
	s8 =	simm.s32 @!p0 $0x1BF5;
	p2 =	por !p2, p0  }
0x20: {  	[sflag:s8] =	ssyncset.s32 @!p0 $0xFFFFF086;
	s6 =	sadd.s32 @!p0 s3, s7;
	s7 =	simm.s32 @!p0 $0x108  }
0x21: {  	s3 =	sadd.s32 s3, s9;
	s6 =	sadd.s32 @!p0 $0x88, s6;
	s7 =	simm.s32 @p2 $0x1082  }
0x22: {  	[simem:s7], [sflag:s8] =	dma.local @!p0 [hbm:s6], $0xF7A  }
0x23: {  	s9 =	sor.u32 $0xD0000000, s2;
	s6 =	simm.s32 $0x108;
	_ =	swait.ge @!p0 [sflag:s8], $0x0  }
0x24: {  	s3 =	sadd.s32 $0x88, s3;
	s6 =	simm.s32 @!p1 $0x1082;
	[sflag:s4] =	ssyncset.s32 $0xFFFFF086  }
0x25: {  	[simem:s6], [sflag:s4] =	dma.local [hbm:s3], $0xF7A  }
0x26: {  	[smem:$0x3F9F] =	sst s1;
	(tag) =	ssettag s2;
	_ =	strace s9  }
0x27: {  	s1 =	sld [smem:$0x3FAF]  }
0x28: {  	s2 =	sld [smem:$0x3FB0]  }
0x29: {  	s4 =	sld [smem:$0x3FB2]  }
0x2a: {  	p0 =	seq.s32 s5, $0x0;
	s5 =	sld [smem:$0x3FB3]  }
0x2b: {  	s6 =	sld [smem:$0x3FB4]  }
0x2c: {  	s7 =	sld [smem:$0x3FB5]  }
0x2d: {  	s3 =	simm.s32 $0x108;
	s8 =	sld [smem:$0x3FB6]  }
0x2e: {  	s3 =	simm.s32 @!p0 $0x1082;
	s9 =	sld [smem:$0x3FB7]  }
0x2f: {  	lr =	sadd.s32 s0, s3;
	s0 =	sld [smem:$0x3FAE]  }
0x30: {  	s3 =	sld [smem:$0x3FB1]  }
0x31: {  	[smem:$0x3FBA] =	sst s10  }
0x32: {  	s10 =	sld [smem:$0x3FB8];
	_ =	sdelay $0x3  }
0x33: {  	p0 =	seq.s32 s10, $0x1;
	s10 =	sld [smem:$0x3FBA];
	_ =	sdelay $0x3  }
0x34: {  	[smem:$0x3FBA] =	sst s10  }
0x35: {  	s10 =	sld [smem:$0x3FB9];
	_ =	sdelay $0x3  }
0x36: {  	p1 =	seq.s32 s10, $0x1;
	s10 =	sld [smem:$0x3FBA];
	_ =	sdelay $0x3  }
0x37: {  	[smem:$0x3FBA] =	sst s10  }
0x38: {  	s10 =	sld [smem:$0x3FBB]  }
0x39: {  	_ = 	snop;
	(pc) =	sbr.ind lr, $3  }
0x3a: {  	_ = 	snop  }
0x3b: {  	_ = 	snop  }
0x3c: {  	p2 =	seq.s32 s10, $0x1;
	s10 =	sld [smem:$0x3FBA]  }
0x3d: {  	_ =	shalt  }
0x3e: {  	_ =	shalt  }
0x3f: {  	_ =	shalt  }
0x40: {  	_ =	shalt  }
0x41: {  	_ =	shalt  }
0x42: {  	_ =	shalt  }
0x43: {  	_ =	shalt  }
0x44: {  	_ =	shalt  }
0x45: {  	_ =	shalt  }
0x46: {  	_ =	shalt  }
0x47: {  	_ =	shalt  }
0x48: {  	_ =	shalt  }
0x49: {  	_ =	shalt  }
0x4a: {  	_ =	shalt  }
0x4b: {  	_ =	shalt  }
0x4c: {  	_ =	shalt  }
0x4d: {  	_ =	shalt  }
0x4e: {  	_ =	shalt  }
0x4f: {  	_ =	shalt  }
0x50: {  	_ =	shalt  }
0x51: {  	_ =	shalt  }
0x52: {  	_ =	shalt  }
0x53: {  	_ =	shalt  }
0x54: {  	_ =	shalt  }
0x55: {  	_ =	shalt  }
0x56: {  	_ =	shalt  }
0x57: {  	_ =	shalt  }
0x58: {  	_ =	shalt  }
0x59: {  	_ =	shalt  }
0x5a: {  	_ =	shalt  }
0x5b: {  	_ =	shalt  }
0x5c: {  	_ =	shalt  }
0x5d: {  	_ =	shalt  }
0x5e: {  	_ =	shalt  }
0x5f: {  	_ =	shalt  }
0x60: {  	_ =	shalt  }
0x61: {  	_ =	shalt  }
0x62: {  	_ =	shalt  }
0x63: {  	_ =	shalt  }
0x64: {  	_ =	shalt  }
0x65: {  	_ =	shalt  }
0x66: {  	_ =	shalt  }
0x67: {  	_ =	shalt  }
0x68: {  	_ =	shalt  }
0x69: {  	_ =	shalt  }
0x6a: {  	_ =	shalt  }
0x6b: {  	_ =	shalt  }
0x6c: {  	_ =	shalt  }
0x6d: {  	_ =	shalt  }
0x6e: {  	_ =	shalt  }
0x6f: {  	_ =	shalt  }
0x70: {  	_ =	shalt  }
0x71: {  	_ =	shalt  }
0x72: {  	_ =	shalt  }
0x73: {  	_ =	shalt  }
0x74: {  	_ =	shalt  }
0x75: {  	_ =	shalt  }
0x76: {  	_ =	shalt  }
0x77: {  	_ =	shalt  }
0x78: {  	_ =	shalt  }
0x79: {  	_ =	shalt  }
0x7a: {  	_ =	shalt  }
0x7b: {  	_ =	shalt  }
0x7c: {  	_ =	shalt  }
0x7d: {  	_ =	shalt  }
0x7e: {  	_ =	shalt  }
0x7f: {  	_ =	shalt  }
0x80: {  	_ =	shalt  }
0x81: {  	_ =	shalt  }
0x82: {  	_ =	shalt  }
0x83: {  	_ =	shalt  }
0x84: {  	_ =	shalt  }
0x85: {  	_ =	shalt  }
0x86: {  	_ =	shalt  }
0x87: {  	_ =	shalt  }
.Lfunc_end0:
.L_simem_size_0:
called_computation_lowered:
.L_overlay_start_0:
0x88: {  	s2 =	sld [smem:$0x3FD9]  }
0x89: {  	s3 =	sld [smem:$0x3FFE];
	_ =	sdelay $0x1  }
0x8a: {  	s1 =	srdreg.scid  }
0x8b: {  	s0 =	sand.u32 $0x1, s1  }
0x8c: {  	s17 =	sshll.u32 s0, $0xA;
	s2 =	sadd.s32 s3, s2  }
0x8d: {  	s2 =	sadd.s32 s2, s17  }
0x8e: {  	[smem:$0x3FC6] =	sst s2  }
0x8f: {  	_ = 	snop  }
0x90: {  	s2 =	sld [smem:$0x3FC8]  }
0x91: {  	s18 =	sld [smem:$0x3FD0];
	(tm) =	ssettm $0x1  }
0x92: {  	s4 =	sld [smem:$0x3FFB];
	_ =	sdelay $0x3  }
0x93: {  	_ =	strace s4  }
0x94: {  	s4 =	sld [smem:$0x3FFC];
	_ =	sdelay $0x3  }
0x95: {  	_ =	strace s4  }
0x96: {  	s4 =	sld [smem:$0x3FFD];
	_ =	sdelay $0x3  }
0x97: {  	_ =	strace s4  }
0x98: {  	_ =	strace $0x8FFFFFFF  }
0x99: {  	s19 =	sld [smem:$0x3FDB];
	_ =	sdelay $0x1  }
0x9a: {  	s5 =	simm.s32 $_scs_section_size  }
0x9b: {  	s6 =	simm.s32 $_size__tile_overlayer_lowered;
	s7 =	simm.s32 $_tile_overlayer_lowered  }
0x9c: {  	s22 =	simm.s32 $0x1BFF;
	s21 =	sshll.u32 s7, $0x1;
	s4 =	sadd.s32 s5, s19  }
0x9d: {  	s8 =	simm.s32 $0x0;
	s20 =	sshll.u32 s6, $0x1;
	s6 =	sadd.s32 s21, s4  }
0x9e: {  	[timem:s8], [sflag:s22] =	dma.local [hbm:s6], s20  }
0x9f: {  	_ =	swait.ge [sflag:s22], s20  }
0xa0: {  	s5 =	ssub.s32 $0x0, s20;
	[sflag:s22] =	ssyncset.done $0x0  }
0xa1: {  	[sflag:s22] =	ssyncadd.s32 s5;
	_ =	sdelay $0x1  }
0xa2: {  	s23 =	simm.s32 $0x1B8B  }
0xa3: {  	_ =	swait.ge [sflag:s23], $0x1  }
0xa4: {  	[sflag:s23] =	ssyncset.done $0x0  }
0xa5: {  	s25 =	simm.s32 $0x1B8E;
	s24 =	sld [smem:$0x3FFE];
	[sflag:s23] =	ssyncadd.s32 $0xFFFFFFFF  }
0xa6: {  	s26 =	simm.s32 $execute0_lowered;
	[smem:$0x3FD2] =	sst s25  }
0xa7: {  	s6 =	sshll.u32 s26, $0x1;
	_ =	strace $0x80000046;
	[dreg:$0x1] =	wrdreg $0xFFFFFFFF  }
0xa8: {  	s28 =	simm.s32 $_size_execute0_lowered;
	s4 =	sadd.s32 s4, s6;
	[dreg:$0x0] =	wrdreg $0x0  }
0xa9: {  	s6 =	sshll.u32 s28, $0x1;
	[dreg:$0x2] =	wrdreg s4  }
0xaa: {  	[dreg:$0x3] =	wrdreg s6  }
0xab: {  	[dreg:$0x4] =	wrdreg $0xC0  }
0xac: {  	_ =	task [dreg:s8], $0x5FFFF  }
0xad: {  	[dreg:$0x1] =	wrdreg $0xFFFFFFFF  }
0xae: {  	[dreg:$0x0] =	wrdreg $0x60  }
0xaf: {  	[dreg:$0x2] =	wrdreg s24  }
0xb0: {  	[dreg:$0x3] =	wrdreg s2  }
0xb1: {  	[dreg:$0x4] =	wrdreg s18  }
0xb2: {  	[dreg:$0x5] =	wrdreg $0x9  }
0xb3: {  	_ =	task.clear_ibuf [dreg:s8], $0x6FFFF;
	_ =	strace $0x90000046  }
0xb4: {  	s29 =	simm.s32 $0x9;
	_ =	strace $0x80000048  }
0xb5: {  	_ =	swait.ge [sflag:s29], $0x1  }
0xb6: {  	[sflag:s29] =	ssyncadd.s32 $0xFFFFFFFF  }
0xb7: {  	_ =	strace $0x90000048  }
0xb8: {  	_ =	sfence  }
0xb9: {  	s30 =	sld [smem:$0x0];
	_ =	sdelay $0x2  }
0xba: {  	s31 =	sshll.u32 s1, $0xD;
	s1 =	sshrl.u32 s1, $0x2  }
0xbb: {  	s3 =	sand.u32 $0x4000, s31;
	s1 =	sadd.s32 s1, s30  }
0xbc: {  	s0 =	sor.u32 s3, s0;
	s1 =	sshll.u32 s1, $0x11  }
0xbd: {  	s0 =	sor.u32 s1, s0  }
0xbe: {  	s0 =	sadd.s32 $0x8F2B, s0  }
0xbf: {  	[sflag:s0] =	ssyncadd.remote.s32 $0x1  }
0xc0: {  	_ =	sfence.sel $0xFFFF  }
0xc1: {  	[dreg:$0x0] =	wrdreg $0xFFFFFFFF;
	(pc) =	sbr.abs _section_cstart, $3  }
0xc2: {  	[dreg:$0x1] =	wrdreg $0xFFFFFFFF  }
0xc3: {  	_ =	task.clear_ibuf [dreg:s8], $0x2FFFF;
	_ =	strace $0x9FFFFFFF  }
0xc4: {  	(tm) =	ssettm $0x7FFFFFFF  }
0xc5: {  	_ =	shalt  }
tec
execute0_lowered:
.L_overlay_start_1:
0x0: {  	(tag) =	ssettag $0x1  }
0x1: {  	s0 =	rddreg [dreg:$0x0];
	s1 =	srdreg.scid  }
0x2: {  	s2 =	rddreg [dreg:$0x1];
	s9 =	stileid.u32  }
0x3: {  	s4 =	rddreg [dreg:$0x2];
	s3 =	simm.s32 $0x0;
	s12 =	simm.s32 $0x800  }
0x4: {  	s29 =	simm.s32 $0x8800;
	s30 =	simm.s32 $0x9000;
	s31 =	simm.s32 $0x9800  }
0x5: {  	s11 =	simm.s32 $0xC000;
	s13 =	simm.s32 $0xD000;
	s14 =	simm.s32 $0xD800  }
0x6: {  	s15 =	simm.s32 $0xE000;
	s16 =	simm.s32 $0xE800;
	s17 =	simm.s32 $0xF000  }
0x7: {  	s18 =	simm.s32 $0xF800;
	s19 =	simm.s32 $0x10000;
	s20 =	simm.s32 $0x1  }
0x8: {  	s21 =	simm.s32 $0x2;
	s22 =	simm.s32 $0x3;
	s23 =	simm.s32 $0x4  }
0x9: {  	s1 =	sand.u32 $0x1, s1;
	s5 =	sshll.u32 s9, $0xB;
	[smem:$0x7FF] =	sst s3  }
0xa: {  	s7 =	sadd.s32 $0x200, s2;
	s8 =	sadd.s32 $0x300, s2;
	s6 =	sshll.u32 s1, $0xA  }
0xb: {  	s28 =	sshll.u32 s9, $0x12;
	s9 =	simm.s32 $0xB800;
	s5 =	sor.u32 s6, s5  }
0xc: {  	s25 =	ssub.s32 $0x2, s1;
	[dreg:$0x4] =	wrdreg s5;
	s5 =	sshrl.u32 s5, $0x3  }
0xd: {  	s1 =	sshll.u32 s1, $0x11;
	s26 =	sshrl.u32 s25, $0x1;
	s0 =	sadd.s32 s5, s0  }
.Ltmp0:
0xe: {  	s5 =	ssub.s32 s25, s26;
	s0 =	sadd.s32 $0x800, s0;
	(pc) =	sbr.rel .LBB2_1-.Ltmp0, $4  }
0xf: {  	_ =	strace $0x80000047;
	s5 =	smax.u32 s5, $0x1;
	[dreg:$0x5] =	wrdreg s0  }
0x10: {  	v0 =	vlaneseq.u32;
	s6 =	sadd.s32 $0x100, s2;
	s25 =	simm.s32 $0x0;
	[dreg:$0x6] =	wrdreg s5  }
0x11: {  	vm0 =	vmmov $0xffff;
	v2 =	vshrl.u32 v0, $0x3;
	s0 =	sadd.s32 s28, s4;
	s5 =	simm.s32 $0xB000;
	s4 =	simm.s32 $0xC800  }
0x12: {  	v1 =	vand.u32 $0x7, v0;
	v3 =	vor.u32 $0x8, v0;
	v2 =	vmul.u32 $0x8, v2;
	s10 =	sadd.s32 s1, s0;
	s1 =	simm.s32 $0xA000;
	s0 =	simm.s32 $0xA800  }
.LBB2_6:
0x13: {  	_ =	swait.ge [sflag:s23], $0x8000  }
0x14: {  	s25 =	rddreg [dreg:$0x7]  }
0x15: {  	s24 =	rddreg [dreg:$0x6];
	s25 =	sadd.s32 $0x1, s25  }
0x16: {  	p0 =	sne.s32 s25, s24  }
.Ltmp1:
0x17: {  	_ = 	snop;
	(pc) =	sbr.rel @!p0 .LBB2_7-.Ltmp1, $3  }
0x18: {  	_ =	sdelay $0x1  }
0x19: {  	[sflag:s23] =	ssyncset.done $0x0  }
0x1a: {  	[sflag:s23] =	ssyncadd.s32 $0xFFFF8000  }
.LBB2_1:
0x1b: {  	[dreg:$0x7] =	wrdreg s25  }
0x1c: {  	s24 =	rddreg [dreg:$0x5];
	s28 =	simm.s32 $0x5  }
0x1d: {  	[tilespmem:s3], [sflag:$0x5] =	stream.linear.gather [hbm4b:s24+s3], $0x400, $0x38;
	[tilespmem:$0x10800] =	vst v63  }
0x1e: {  	_ =	swait.ge [sflag:s28], $0x400  }
0x1f: {  	[sflag:s28] =	ssyncset.done $0x0  }
0x20: {  	s24 =	simm.s32 $0x0;
	[sflag:s28] =	ssyncadd.s32 $0xFFFFFC00  }
0x21: {  	v4 =	vld [tilespmem:s24+$0x0];
	_ =	sdelay $0x1  }
0x22: {  	s26 =	rddreg [dreg:$0x4]  }
0x23: {  	v5 =	vor.u32 s26, v0  }
0x24: {  	s25 =	simm.s32 $0x40;
	v5 =	vand.u32 $0x1FFF, v5  }
.LBB2_2:
0x25: {  	s28 =	sshra.s32 s25, $0x2;
	p0 =	sne.s32 s25, $0xFC0;
	s25 =	sadd.s32 $0x40, s25;
	vm1 =	veq.s32 v4, $0x1;
	v5 =	vadd.s32 $0x2, v5  }
.Ltmp2:
0x26: {  	v4 =	vld [tilespmem:s28+$0x0];
	v5 =	vsel vm1, $0x1, v5;
	(pc) =	sbr.rel @p0 .LBB2_2-.Ltmp2, $4  }
0x27: {  	[tilespmem:s24+$0x400] =	vst v5;
	s24 =	smov.u32 s28  }
0x28: {  	s26 =	sadd.s32 $0x10, s26  }
0x29: {  	v5 =	vor.u32 s26, v0  }
0x2a: {  	v5 =	vand.u32 $0x1FFF, v5  }
0x2b: {  	vm1 =	veq.s32 v4, $0x1;
	v4 =	vadd.s32 $0x2, v5  }
0x2c: {  	v4 =	vsel vm1, $0x1, v4  }
0x2d: {  	[tilespmem:s24+$0x400] =	vst v4  }
0x2e: {  	v4 =	vld [tilespmem:$0x400];
	_ =	sdelay $0x4  }
0x2f: {  	v5 =	vshll.u32 v4, $0x3  }
0x30: {  	v4 =	vand.u32 $0x7, v4;
	v5 =	vand.u32 $0xFFFFFFC0, v5  }
0x31: {  	v4 =	vor.u32 v4, v5  }
0x32: {  	v5 =	vperm.xlane v4, v1;
	_ =	sdelay $0x1  }
0x33: {  	v5 =	vadd.s32 v2, v5;
	_ =	sdelay $0x3  }
0x34: {  	s24 =	simm.s32 $0x0  }
0x35: {  	[tilespmem:s12], [sflag:$0x1] =	stream.indirect_vreg.gather [hbm4b:s2+s24], $0x80, v5, vm0, $0xb8;
	[tilespmem:$0x10800] =	vst v63  }
0x36: {  	s28 =	simm.s32 $0x1000;
	v4 =	vperm.xlane v4, v3  }
0x37: {  	[tilespmem:s28], [sflag:$0x1] =	stream.indirect_vreg.gather [hbm4b:s6+s24], $0x80, v5, vm0, $0xb8;
	[tilespmem:$0x10800] =	vst v63  }
0x38: {  	s25 =	simm.s32 $0x1800;
	v4 =	vadd.s32 v2, v4  }
0x39: {  	[tilespmem:s25], [sflag:$0x1] =	stream.indirect_vreg.gather [hbm4b:s7+s24], $0x80, v5, vm0, $0xb8;
	[tilespmem:$0x10800] =	vst v63  }
0x3a: {  	s26 =	simm.s32 $0x2000  }
0x3b: {  	[tilespmem:s26], [sflag:$0x1] =	stream.indirect_vreg.gather [hbm4b:s8+s24], $0x80, v5, vm0, $0xb8;
	[tilespmem:$0x10800] =	vst v63  }
0x3c: {  	s26 =	simm.s32 $0x2800  }
0x3d: {  	[tilespmem:s26], [sflag:$0x1] =	stream.indirect_vreg.gather [hbm4b:s2+s24], $0x80, v4, vm0, $0xb8;
	[tilespmem:$0x10800] =	vst v63  }
0x3e: {  	s26 =	simm.s32 $0x3000  }
0x3f: {  	[tilespmem:s26], [sflag:$0x1] =	stream.indirect_vreg.gather [hbm4b:s6+s24], $0x80, v4, vm0, $0xb8;
	[tilespmem:$0x10800] =	vst v63  }
0x40: {  	s26 =	simm.s32 $0x3800  }
0x41: {  	[tilespmem:s26], [sflag:$0x1] =	stream.indirect_vreg.gather [hbm4b:s7+s24], $0x80, v4, vm0, $0xb8;
	[tilespmem:$0x10800] =	vst v63  }
0x42: {  	s26 =	simm.s32 $0x4000  }
0x43: {  	[tilespmem:s26], [sflag:$0x1] =	stream.indirect_vreg.gather [hbm4b:s8+s24], $0x80, v4, vm0, $0xb8;
	[tilespmem:$0x10800] =	vst v63  }
0x44: {  	v4 =	vld [tilespmem:$0x410];
	_ =	sdelay $0x4  }
0x45: {  	v5 =	vshll.u32 v4, $0x3  }
0x46: {  	v4 =	vand.u32 $0x7, v4;
	v5 =	vand.u32 $0xFFFFFFC0, v5  }
0x47: {  	v4 =	vor.u32 v4, v5  }
0x48: {  	v5 =	vperm.xlane v4, v1;
	_ =	sdelay $0x1  }
0x49: {  	v5 =	vadd.s32 v2, v5;
	_ =	sdelay $0x3  }
0x4a: {  	s26 =	simm.s32 $0x4800  }
0x4b: {  	[tilespmem:s26], [sflag:$0x1] =	stream.indirect_vreg.gather [hbm4b:s2+s24], $0x80, v5, vm0, $0xb8;
	[tilespmem:$0x10800] =	vst v63  }
0x4c: {  	v4 =	vperm.xlane v4, v3;
	s26 =	simm.s32 $0x5000  }
0x4d: {  	[tilespmem:s26], [sflag:$0x1] =	stream.indirect_vreg.gather [hbm4b:s6+s24], $0x80, v5, vm0, $0xb8;
	[tilespmem:$0x10800] =	vst v63  }
0x4e: {  	v4 =	vadd.s32 v2, v4;
	s26 =	simm.s32 $0x5800  }
0x4f: {  	[tilespmem:s26], [sflag:$0x1] =	stream.indirect_vreg.gather [hbm4b:s7+s24], $0x80, v5, vm0, $0xb8;
	[tilespmem:$0x10800] =	vst v63  }
0x50: {  	s26 =	simm.s32 $0x6000  }
0x51: {  	[tilespmem:s26], [sflag:$0x1] =	stream.indirect_vreg.gather [hbm4b:s8+s24], $0x80, v5, vm0, $0xb8;
	[tilespmem:$0x10800] =	vst v63  }
0x52: {  	s26 =	simm.s32 $0x6800  }
0x53: {  	[tilespmem:s26], [sflag:$0x1] =	stream.indirect_vreg.gather [hbm4b:s2+s24], $0x80, v4, vm0, $0xb8;
	[tilespmem:$0x10800] =	vst v63  }
0x54: {  	s26 =	simm.s32 $0x7000  }
0x55: {  	[tilespmem:s26], [sflag:$0x1] =	stream.indirect_vreg.gather [hbm4b:s6+s24], $0x80, v4, vm0, $0xb8;
	[tilespmem:$0x10800] =	vst v63  }
0x56: {  	s26 =	simm.s32 $0x7800  }
0x57: {  	[tilespmem:s26], [sflag:$0x1] =	stream.indirect_vreg.gather [hbm4b:s7+s24], $0x80, v4, vm0, $0xb8;
	[tilespmem:$0x10800] =	vst v63  }
0x58: {  	s26 =	simm.s32 $0x8000  }
0x59: {  	[tilespmem:s26], [sflag:$0x1] =	stream.indirect_vreg.gather [hbm4b:s8+s24], $0x80, v4, vm0, $0xb8;
	[tilespmem:$0x10800] =	vst v63  }
0x5a: {  	v4 =	vld [tilespmem:$0x420];
	_ =	sdelay $0x4  }
0x5b: {  	v5 =	vshll.u32 v4, $0x3  }
0x5c: {  	v4 =	vand.u32 $0x7, v4;
	v5 =	vand.u32 $0xFFFFFFC0, v5  }
0x5d: {  	v4 =	vor.u32 v4, v5  }
0x5e: {  	v5 =	vperm.xlane v4, v1;
	_ =	sdelay $0x1  }
0x5f: {  	v5 =	vadd.s32 v2, v5;
	_ =	sdelay $0x4  }
0x60: {  	[tilespmem:s29], [sflag:$0x2] =	stream.indirect_vreg.gather [hbm4b:s2+s24], $0x80, v5, vm0, $0xb8;
	[tilespmem:$0x10800] =	vst v63  }
0x61: {  	v4 =	vperm.xlane v4, v3  }
0x62: {  	[tilespmem:s30], [sflag:$0x2] =	stream.indirect_vreg.gather [hbm4b:s6+s24], $0x80, v5, vm0, $0xb8;
	[tilespmem:$0x10800] =	vst v63  }
0x63: {  	v4 =	vadd.s32 v2, v4  }
0x64: {  	[tilespmem:s31], [sflag:$0x2] =	stream.indirect_vreg.gather [hbm4b:s7+s24], $0x80, v5, vm0, $0xb8;
	[tilespmem:$0x10800] =	vst v63  }
0x65: {  	_ = 	snop  }
0x66: {  	[tilespmem:s1], [sflag:$0x2] =	stream.indirect_vreg.gather [hbm4b:s8+s24], $0x80, v5, vm0, $0xb8;
	[tilespmem:$0x10800] =	vst v63  }
0x67: {  	_ = 	snop  }
0x68: {  	[tilespmem:s0], [sflag:$0x2] =	stream.indirect_vreg.gather [hbm4b:s2+s24], $0x80, v4, vm0, $0xb8;
	[tilespmem:$0x10800] =	vst v63  }
0x69: {  	_ = 	snop  }
0x6a: {  	[tilespmem:s5], [sflag:$0x2] =	stream.indirect_vreg.gather [hbm4b:s6+s24], $0x80, v4, vm0, $0xb8;
	[tilespmem:$0x10800] =	vst v63  }
0x6b: {  	_ = 	snop  }
0x6c: {  	[tilespmem:s9], [sflag:$0x2] =	stream.indirect_vreg.gather [hbm4b:s7+s24], $0x80, v4, vm0, $0xb8;
	[tilespmem:$0x10800] =	vst v63  }
0x6d: {  	_ = 	snop  }
0x6e: {  	[tilespmem:s11], [sflag:$0x2] =	stream.indirect_vreg.gather [hbm4b:s8+s24], $0x80, v4, vm0, $0xb8;
	[tilespmem:$0x10800] =	vst v63  }
0x6f: {  	v4 =	vld [tilespmem:$0x430];
	_ =	sdelay $0x4  }
0x70: {  	v5 =	vshll.u32 v4, $0x3  }
0x71: {  	v4 =	vand.u32 $0x7, v4;
	v5 =	vand.u32 $0xFFFFFFC0, v5  }
0x72: {  	v4 =	vor.u32 v4, v5  }
0x73: {  	v5 =	vperm.xlane v4, v1;
	_ =	sdelay $0x1  }
0x74: {  	v5 =	vadd.s32 v2, v5;
	_ =	sdelay $0x4  }
0x75: {  	[tilespmem:s4], [sflag:$0x2] =	stream.indirect_vreg.gather [hbm4b:s2+s24], $0x80, v5, vm0, $0xb8;
	[tilespmem:$0x10800] =	vst v63  }
0x76: {  	v4 =	vperm.xlane v4, v3  }
0x77: {  	[tilespmem:s13], [sflag:$0x2] =	stream.indirect_vreg.gather [hbm4b:s6+s24], $0x80, v5, vm0, $0xb8;
	[tilespmem:$0x10800] =	vst v63  }
0x78: {  	v4 =	vadd.s32 v2, v4  }
0x79: {  	[tilespmem:s14], [sflag:$0x2] =	stream.indirect_vreg.gather [hbm4b:s7+s24], $0x80, v5, vm0, $0xb8;
	[tilespmem:$0x10800] =	vst v63  }
0x7a: {  	_ = 	snop  }
0x7b: {  	[tilespmem:s15], [sflag:$0x2] =	stream.indirect_vreg.gather [hbm4b:s8+s24], $0x80, v5, vm0, $0xb8;
	[tilespmem:$0x10800] =	vst v63  }
0x7c: {  	_ = 	snop  }
0x7d: {  	[tilespmem:s16], [sflag:$0x2] =	stream.indirect_vreg.gather [hbm4b:s2+s24], $0x80, v4, vm0, $0xb8;
	[tilespmem:$0x10800] =	vst v63  }
0x7e: {  	_ = 	snop  }
0x7f: {  	[tilespmem:s17], [sflag:$0x2] =	stream.indirect_vreg.gather [hbm4b:s6+s24], $0x80, v4, vm0, $0xb8;
	[tilespmem:$0x10800] =	vst v63  }
0x80: {  	_ = 	snop  }
0x81: {  	[tilespmem:s18], [sflag:$0x2] =	stream.indirect_vreg.gather [hbm4b:s7+s24], $0x80, v4, vm0, $0xb8;
	[tilespmem:$0x10800] =	vst v63  }
0x82: {  	s25 =	simm.s32 $0x470  }
0x83: {  	[tilespmem:s19], [sflag:$0x2] =	stream.indirect_vreg.gather [hbm4b:s8+s24], $0x80, v4, vm0, $0xb8;
	[tilespmem:$0x10800] =	vst v63  }
.LBB2_4:
0x84: {  	_ =	swait.ge [sflag:s20], $0x8000  }
0x85: {  	[sflag:s20] =	ssyncset.done $0x0  }
0x86: {  	s26 =	sadd.s32 s24, s10;
	[sflag:s20] =	ssyncadd.s32 $0xFFFF8000  }
0x87: {  	[hbm4b:s26+s3] =	stream.linear.scatter [tilespmem:s12], [sflag:$0x3], $0x8000, $0x38;
	[tilespmem:$0x10800] =	vst v63  }
0x88: {  	_ =	swait.ge [sflag:s21], $0x8000  }
0x89: {  	p0 =	seq.s32 s24, $0x1E000;
	[sflag:s21] =	ssyncset.done $0x0  }
.Ltmp3:
0x8a: {  	s26 =	sadd.s32 $0x1000, s26;
	[sflag:s21] =	ssyncadd.s32 $0xFFFF8000;
	(pc) =	sbr.rel @p0 .LBB2_6-.Ltmp3, $4  }
0x8b: {  	[hbm4b:s26+s3] =	stream.linear.scatter [tilespmem:s29], [sflag:$0x4], $0x8000, $0x38;
	[tilespmem:$0x10800] =	vst v63  }
0x8c: {  	_ =	swait.ge [sflag:s22], $0x8000  }
0x8d: {  	[sflag:s22] =	ssyncset.done $0x0  }
0x8e: {  	[sflag:s22] =	ssyncadd.s32 $0xFFFF8000  }
0x8f: {  	v4 =	vld [tilespmem:s25+$0xFFFFFFD0];
	_ =	sdelay $0x4  }
0x90: {  	v5 =	vshll.u32 v4, $0x3  }
0x91: {  	v4 =	vand.u32 $0x7, v4;
	v5 =	vand.u32 $0xFFFFFFC0, v5  }
0x92: {  	v4 =	vor.u32 v4, v5  }
0x93: {  	v5 =	vperm.xlane v4, v1;
	_ =	sdelay $0x1  }
0x94: {  	v5 =	vadd.s32 v2, v5;
	_ =	sdelay $0x4  }
0x95: {  	[tilespmem:s12], [sflag:$0x1] =	stream.indirect_vreg.gather [hbm4b:s2+s3], $0x80, v5, vm0, $0xb8;
	[tilespmem:$0x10800] =	vst v63  }
0x96: {  	v4 =	vperm.xlane v4, v3  }
0x97: {  	[tilespmem:s28], [sflag:$0x1] =	stream.indirect_vreg.gather [hbm4b:s6+s3], $0x80, v5, vm0, $0xb8;
	[tilespmem:$0x10800] =	vst v63  }
0x98: {  	s26 =	simm.s32 $0x1800;
	v4 =	vadd.s32 v2, v4  }
0x99: {  	[tilespmem:s26], [sflag:$0x1] =	stream.indirect_vreg.gather [hbm4b:s7+s3], $0x80, v5, vm0, $0xb8;
	[tilespmem:$0x10800] =	vst v63  }
0x9a: {  	s26 =	simm.s32 $0x2000  }
0x9b: {  	[tilespmem:s26], [sflag:$0x1] =	stream.indirect_vreg.gather [hbm4b:s8+s3], $0x80, v5, vm0, $0xb8;
	[tilespmem:$0x10800] =	vst v63  }
0x9c: {  	s26 =	simm.s32 $0x2800  }
0x9d: {  	[tilespmem:s26], [sflag:$0x1] =	stream.indirect_vreg.gather [hbm4b:s2+s3], $0x80, v4, vm0, $0xb8;
	[tilespmem:$0x10800] =	vst v63  }
0x9e: {  	s26 =	simm.s32 $0x3000  }
0x9f: {  	[tilespmem:s26], [sflag:$0x1] =	stream.indirect_vreg.gather [hbm4b:s6+s3], $0x80, v4, vm0, $0xb8;
	[tilespmem:$0x10800] =	vst v63  }
0xa0: {  	s26 =	simm.s32 $0x3800  }
0xa1: {  	[tilespmem:s26], [sflag:$0x1] =	stream.indirect_vreg.gather [hbm4b:s7+s3], $0x80, v4, vm0, $0xb8;
	[tilespmem:$0x10800] =	vst v63  }
0xa2: {  	s26 =	simm.s32 $0x4000  }
0xa3: {  	[tilespmem:s26], [sflag:$0x1] =	stream.indirect_vreg.gather [hbm4b:s8+s3], $0x80, v4, vm0, $0xb8;
	[tilespmem:$0x10800] =	vst v63  }
0xa4: {  	v4 =	vld [tilespmem:s25+$0xFFFFFFE0];
	_ =	sdelay $0x4  }
0xa5: {  	v5 =	vshll.u32 v4, $0x3  }
0xa6: {  	v4 =	vand.u32 $0x7, v4;
	v5 =	vand.u32 $0xFFFFFFC0, v5  }
0xa7: {  	v4 =	vor.u32 v4, v5  }
0xa8: {  	v5 =	vperm.xlane v4, v1;
	_ =	sdelay $0x1  }
0xa9: {  	v5 =	vadd.s32 v2, v5;
	_ =	sdelay $0x3  }
0xaa: {  	s26 =	simm.s32 $0x4800  }
0xab: {  	[tilespmem:s26], [sflag:$0x1] =	stream.indirect_vreg.gather [hbm4b:s2+s3], $0x80, v5, vm0, $0xb8;
	[tilespmem:$0x10800] =	vst v63  }
0xac: {  	v4 =	vperm.xlane v4, v3;
	s26 =	simm.s32 $0x5000  }
0xad: {  	[tilespmem:s26], [sflag:$0x1] =	stream.indirect_vreg.gather [hbm4b:s6+s3], $0x80, v5, vm0, $0xb8;
	[tilespmem:$0x10800] =	vst v63  }
0xae: {  	v4 =	vadd.s32 v2, v4;
	s26 =	simm.s32 $0x5800  }
0xaf: {  	[tilespmem:s26], [sflag:$0x1] =	stream.indirect_vreg.gather [hbm4b:s7+s3], $0x80, v5, vm0, $0xb8;
	[tilespmem:$0x10800] =	vst v63  }
0xb0: {  	s26 =	simm.s32 $0x6000  }
0xb1: {  	[tilespmem:s26], [sflag:$0x1] =	stream.indirect_vreg.gather [hbm4b:s8+s3], $0x80, v5, vm0, $0xb8;
	[tilespmem:$0x10800] =	vst v63  }
0xb2: {  	s26 =	simm.s32 $0x6800  }
0xb3: {  	[tilespmem:s26], [sflag:$0x1] =	stream.indirect_vreg.gather [hbm4b:s2+s3], $0x80, v4, vm0, $0xb8;
	[tilespmem:$0x10800] =	vst v63  }
0xb4: {  	s26 =	simm.s32 $0x7000  }
0xb5: {  	[tilespmem:s26], [sflag:$0x1] =	stream.indirect_vreg.gather [hbm4b:s6+s3], $0x80, v4, vm0, $0xb8;
	[tilespmem:$0x10800] =	vst v63  }
0xb6: {  	s26 =	simm.s32 $0x7800  }
0xb7: {  	[tilespmem:s26], [sflag:$0x1] =	stream.indirect_vreg.gather [hbm4b:s7+s3], $0x80, v4, vm0, $0xb8;
	[tilespmem:$0x10800] =	vst v63  }
0xb8: {  	s26 =	simm.s32 $0x8000  }
0xb9: {  	[tilespmem:s26], [sflag:$0x1] =	stream.indirect_vreg.gather [hbm4b:s8+s3], $0x80, v4, vm0, $0xb8;
	[tilespmem:$0x10800] =	vst v63  }
0xba: {  	_ =	swait.ge [sflag:s23], $0x8000  }
0xbb: {  	[sflag:s23] =	ssyncset.done $0x0  }
0xbc: {  	[sflag:s23] =	ssyncadd.s32 $0xFFFF8000  }
0xbd: {  	v4 =	vld [tilespmem:s25+$0xFFFFFFF0];
	_ =	sdelay $0x4  }
0xbe: {  	v5 =	vshll.u32 v4, $0x3  }
0xbf: {  	v4 =	vand.u32 $0x7, v4;
	v5 =	vand.u32 $0xFFFFFFC0, v5  }
0xc0: {  	v4 =	vor.u32 v4, v5  }
0xc1: {  	v5 =	vperm.xlane v4, v1;
	_ =	sdelay $0x1  }
0xc2: {  	v5 =	vadd.s32 v2, v5;
	_ =	sdelay $0x4  }
0xc3: {  	[tilespmem:s29], [sflag:$0x2] =	stream.indirect_vreg.gather [hbm4b:s2+s3], $0x80, v5, vm0, $0xb8;
	[tilespmem:$0x10800] =	vst v63  }
0xc4: {  	v4 =	vperm.xlane v4, v3  }
0xc5: {  	[tilespmem:s30], [sflag:$0x2] =	stream.indirect_vreg.gather [hbm4b:s6+s3], $0x80, v5, vm0, $0xb8;
	[tilespmem:$0x10800] =	vst v63  }
0xc6: {  	v4 =	vadd.s32 v2, v4  }
0xc7: {  	[tilespmem:s31], [sflag:$0x2] =	stream.indirect_vreg.gather [hbm4b:s7+s3], $0x80, v5, vm0, $0xb8;
	[tilespmem:$0x10800] =	vst v63  }
0xc8: {  	_ = 	snop  }
0xc9: {  	[tilespmem:s1], [sflag:$0x2] =	stream.indirect_vreg.gather [hbm4b:s8+s3], $0x80, v5, vm0, $0xb8;
	[tilespmem:$0x10800] =	vst v63  }
0xca: {  	_ = 	snop  }
0xcb: {  	[tilespmem:s0], [sflag:$0x2] =	stream.indirect_vreg.gather [hbm4b:s2+s3], $0x80, v4, vm0, $0xb8;
	[tilespmem:$0x10800] =	vst v63  }
0xcc: {  	_ = 	snop  }
0xcd: {  	[tilespmem:s5], [sflag:$0x2] =	stream.indirect_vreg.gather [hbm4b:s6+s3], $0x80, v4, vm0, $0xb8;
	[tilespmem:$0x10800] =	vst v63  }
0xce: {  	_ = 	snop  }
0xcf: {  	[tilespmem:s9], [sflag:$0x2] =	stream.indirect_vreg.gather [hbm4b:s7+s3], $0x80, v4, vm0, $0xb8;
	[tilespmem:$0x10800] =	vst v63  }
0xd0: {  	_ = 	snop  }
0xd1: {  	[tilespmem:s11], [sflag:$0x2] =	stream.indirect_vreg.gather [hbm4b:s8+s3], $0x80, v4, vm0, $0xb8;
	[tilespmem:$0x10800] =	vst v63  }
0xd2: {  	v4 =	vld [tilespmem:s25+$0x0];
	_ =	sdelay $0x4  }
0xd3: {  	v5 =	vshll.u32 v4, $0x3  }
0xd4: {  	v4 =	vand.u32 $0x7, v4;
	v5 =	vand.u32 $0xFFFFFFC0, v5  }
0xd5: {  	v4 =	vor.u32 v4, v5  }
0xd6: {  	v5 =	vperm.xlane v4, v1;
	_ =	sdelay $0x1  }
0xd7: {  	v5 =	vadd.s32 v2, v5;
	_ =	sdelay $0x4  }
0xd8: {  	[tilespmem:s4], [sflag:$0x2] =	stream.indirect_vreg.gather [hbm4b:s2+s3], $0x80, v5, vm0, $0xb8;
	[tilespmem:$0x10800] =	vst v63  }
0xd9: {  	v4 =	vperm.xlane v4, v3  }
0xda: {  	[tilespmem:s13], [sflag:$0x2] =	stream.indirect_vreg.gather [hbm4b:s6+s3], $0x80, v5, vm0, $0xb8;
	[tilespmem:$0x10800] =	vst v63  }
0xdb: {  	v4 =	vadd.s32 v2, v4  }
0xdc: {  	[tilespmem:s14], [sflag:$0x2] =	stream.indirect_vreg.gather [hbm4b:s7+s3], $0x80, v5, vm0, $0xb8;
	[tilespmem:$0x10800] =	vst v63  }
0xdd: {  	_ = 	snop  }
0xde: {  	[tilespmem:s15], [sflag:$0x2] =	stream.indirect_vreg.gather [hbm4b:s8+s3], $0x80, v5, vm0, $0xb8;
	[tilespmem:$0x10800] =	vst v63  }
0xdf: {  	_ = 	snop  }
0xe0: {  	[tilespmem:s16], [sflag:$0x2] =	stream.indirect_vreg.gather [hbm4b:s2+s3], $0x80, v4, vm0, $0xb8;
	[tilespmem:$0x10800] =	vst v63  }
0xe1: {  	_ = 	snop  }
0xe2: {  	[tilespmem:s17], [sflag:$0x2] =	stream.indirect_vreg.gather [hbm4b:s6+s3], $0x80, v4, vm0, $0xb8;
	[tilespmem:$0x10800] =	vst v63  }
.Ltmp4:
0xe3: {  	_ = 	snop;
	(pc) =	sbr.rel .LBB2_4-.Ltmp4, $4  }
0xe4: {  	_ = 	snop  }
0xe5: {  	[tilespmem:s18], [sflag:$0x2] =	stream.indirect_vreg.gather [hbm4b:s7+s3], $0x80, v4, vm0, $0xb8;
	[tilespmem:$0x10800] =	vst v63  }
0xe6: {  	s24 =	sadd.s32 $0x2000, s24;
	s25 =	sadd.s32 $0x40, s25  }
0xe7: {  	[tilespmem:s19], [sflag:$0x2] =	stream.indirect_vreg.gather [hbm4b:s8+s3], $0x80, v4, vm0, $0xb8;
	[tilespmem:$0x10800] =	vst v63  }
.LBB2_7:
0xe8: {  	_ =	sfence.sel $0x180000  }
0xe9: {  	[bflag:$0x0] =	sbarrier.arrive $0xFFFF  }
0xea: {  	_ =	strace $0x90000047  }
0xeb: {  	s0 =	stileid.u32;
	[bflag:$0x2] =	sbarrier.arrive $0xFFFF  }
0xec: {  	p0 =	sne.s32 s0, $0x0;
	s0 =	rddreg [dreg:$0x3]  }
0xed: {  	s0 =	sadd.s32 @!p0 $0x100000, s0  }
0xee: {  	[sflag:s0] =	ssyncadd.tile.s32 @!p0 $0x1;
	_ =	shalt  }
.Lfunc_end2:
_tile_overlayer_lowered:
.L_overlay_start_2:
0xef: {  	(tag) =	ssettag $0x2  }
0xf0: {  	s0 =	rddreg [dreg:$0x0];
	s2 =	stileid.u32  }
0xf1: {  	s1 =	rddreg [dreg:$0x1];
	p0 =	sne.s32 s2, $0x0  }
0xf2: {  	s3 =	rddreg [dreg:$0x2];
	[bflag:$0x3] =	sbarrier.arrive $0xFFFF;
	s2 =	simm.s32 @!p0 $0x1C05  }
0xf3: {  	[timem:s3], [sflag:s2] =	dma.local @!p0 [hbm:s0], s1  }
0xf4: {  	s0 =	simm.s32 @!p0 $0x5  }
0xf5: {  	_ =	swait.ge @!p0 [sflag:s0], s1  }
0xf6: {  	s1 =	ssub.s32 @!p0 $0x0, s1;
	[sflag:s0] =	ssyncset.done @!p0 $0x0  }
0xf7: {  	[sflag:s0] =	ssyncadd.s32 @!p0 s1  }
0xf8: {  	[bflag:$0x3] =	sbarrier.arrive $0xFFFF  }
0xf9: {  	_ =	shalt  }

// kernel: kernel.4.cloned.1.call-start
scs
__scs_entry_jumppad:
0x0: {  	(pc) =	sbr.rel $0x88, $3  }
0x1: {  	(tag) =	ssettag $0x0;
	lr =	simm.s32 $0x1  }
0x2: {  	[smem:$0x3F9F] =	sst lr;
	_ =	strace $0xD0000000  }
0x3: {  	_ = 	snop  }
0x4: {  	_ = 	snop  }
0x5: {  	_ = 	snop  }
0x6: {  	_ = 	snop  }
0x7: {  	_ = 	snop  }
__scs_overlays_trampoline_lowered:
0x8: {  	[smem:$0x3FAE] =	sst s0  }
0x9: {  	[smem:$0x3FAF] =	sst s1  }
0xa: {  	[smem:$0x3FB0] =	sst s2  }
0xb: {  	[smem:$0x3FB1] =	sst s3  }
0xc: {  	[smem:$0x3FB2] =	sst s4  }
0xd: {  	[smem:$0x3FB3] =	sst s5  }
0xe: {  	[smem:$0x3FB4] =	sst s6  }
0xf: {  	[smem:$0x3FB5] =	sst s7  }
0x10: {  	[smem:$0x3FB6] =	sst s8  }
0x11: {  	[smem:$0x3FB7] =	sst s9;
	s0 =	simm.s32 @!p0 $0x0  }
0x12: {  	s1 =	sld [smem:$0x3F9D];
	s0 =	simm.s32 @p0 $0x1  }
0x13: {  	[smem:$0x3FB8] =	sst s0;
	s0 =	simm.s32 @!p1 $0x0  }
0x14: {  	s2 =	sld [smem:$0x3F9C];
	s0 =	simm.s32 @p1 $0x1  }
0x15: {  	[smem:$0x3FB9] =	sst s0;
	s0 =	simm.s32 @!p2 $0x0  }
0x16: {  	s3 =	sld [smem:$0x3FDB];
	s0 =	simm.s32 @p2 $0x1  }
0x17: {  	s4 =	simm.s32 $0x1BF5;
	[smem:$0x3FBB] =	sst s0  }
0x18: {  	s0 =	sld [smem:$0x3F9E];
	_ =	swait.ge [sflag:s4], $0x0  }
0x19: {  	s7 =	sld [smem:$0x3F9F]  }
0x1a: {  	s8 =	sadd.s32 $0xFFFFE003, lr  }
0x1b: {  	s9 =	sadd.s32 $0xFFFFFEF7, lr;
	s5 =	simm.s32 $0xFFFFFFFF;
	p2 =	slt.u32 s8, $0xFFFFF086  }
0x1c: {  	p1 =	slt.u32 s9, $0xF7A;
	s5 =	simm.s32 @!p2 $0x0  }
0x1d: {  	s5 =	simm.s32 @p1 $0x1;
	p0 =	seq.s32 s7, s2  }
0x1e: {  	s7 =	smul.u32 @!p0 $0xF7A, s2;
	p2 =	seq.s32 @!p0 s5, $0x0  }
0x1f: {  	s9 =	smul.u32 $0xF7A, s1;
	s8 =	simm.s32 @!p0 $0x1BF5;
	p2 =	por !p2, p0  }
0x20: {  	[sflag:s8] =	ssyncset.s32 @!p0 $0xFFFFF086;
	s6 =	sadd.s32 @!p0 s3, s7;
	s7 =	simm.s32 @!p0 $0x108  }
0x21: {  	s3 =	sadd.s32 s3, s9;
	s6 =	sadd.s32 @!p0 $0x88, s6;
	s7 =	simm.s32 @p2 $0x1082  }
0x22: {  	[simem:s7], [sflag:s8] =	dma.local @!p0 [hbm:s6], $0xF7A  }
0x23: {  	s9 =	sor.u32 $0xD0000000, s2;
	s6 =	simm.s32 $0x108;
	_ =	swait.ge @!p0 [sflag:s8], $0x0  }
0x24: {  	s3 =	sadd.s32 $0x88, s3;
	s6 =	simm.s32 @!p1 $0x1082;
	[sflag:s4] =	ssyncset.s32 $0xFFFFF086  }
0x25: {  	[simem:s6], [sflag:s4] =	dma.local [hbm:s3], $0xF7A  }
0x26: {  	[smem:$0x3F9F] =	sst s1;
	(tag) =	ssettag s2;
	_ =	strace s9  }
0x27: {  	s1 =	sld [smem:$0x3FAF]  }
0x28: {  	s2 =	sld [smem:$0x3FB0]  }
0x29: {  	s4 =	sld [smem:$0x3FB2]  }
0x2a: {  	p0 =	seq.s32 s5, $0x0;
	s5 =	sld [smem:$0x3FB3]  }
0x2b: {  	s6 =	sld [smem:$0x3FB4]  }
0x2c: {  	s7 =	sld [smem:$0x3FB5]  }
0x2d: {  	s3 =	simm.s32 $0x108;
	s8 =	sld [smem:$0x3FB6]  }
0x2e: {  	s3 =	simm.s32 @!p0 $0x1082;
	s9 =	sld [smem:$0x3FB7]  }
0x2f: {  	lr =	sadd.s32 s0, s3;
	s0 =	sld [smem:$0x3FAE]  }
0x30: {  	s3 =	sld [smem:$0x3FB1]  }
0x31: {  	[smem:$0x3FBA] =	sst s10  }
0x32: {  	s10 =	sld [smem:$0x3FB8];
	_ =	sdelay $0x3  }
0x33: {  	p0 =	seq.s32 s10, $0x1;
	s10 =	sld [smem:$0x3FBA];
	_ =	sdelay $0x3  }
0x34: {  	[smem:$0x3FBA] =	sst s10  }
0x35: {  	s10 =	sld [smem:$0x3FB9];
	_ =	sdelay $0x3  }
0x36: {  	p1 =	seq.s32 s10, $0x1;
	s10 =	sld [smem:$0x3FBA];
	_ =	sdelay $0x3  }
0x37: {  	[smem:$0x3FBA] =	sst s10  }
0x38: {  	s10 =	sld [smem:$0x3FBB]  }
0x39: {  	_ = 	snop;
	(pc) =	sbr.ind lr, $3  }
0x3a: {  	_ = 	snop  }
0x3b: {  	_ = 	snop  }
0x3c: {  	p2 =	seq.s32 s10, $0x1;
	s10 =	sld [smem:$0x3FBA]  }
0x3d: {  	_ =	shalt  }
0x3e: {  	_ =	shalt  }
0x3f: {  	_ =	shalt  }
0x40: {  	_ =	shalt  }
0x41: {  	_ =	shalt  }
0x42: {  	_ =	shalt  }
0x43: {  	_ =	shalt  }
0x44: {  	_ =	shalt  }
0x45: {  	_ =	shalt  }
0x46: {  	_ =	shalt  }
0x47: {  	_ =	shalt  }
0x48: {  	_ =	shalt  }
0x49: {  	_ =	shalt  }
0x4a: {  	_ =	shalt  }
0x4b: {  	_ =	shalt  }
0x4c: {  	_ =	shalt  }
0x4d: {  	_ =	shalt  }
0x4e: {  	_ =	shalt  }
0x4f: {  	_ =	shalt  }
0x50: {  	_ =	shalt  }
0x51: {  	_ =	shalt  }
0x52: {  	_ =	shalt  }
0x53: {  	_ =	shalt  }
0x54: {  	_ =	shalt  }
0x55: {  	_ =	shalt  }
0x56: {  	_ =	shalt  }
0x57: {  	_ =	shalt  }
0x58: {  	_ =	shalt  }
0x59: {  	_ =	shalt  }
0x5a: {  	_ =	shalt  }
0x5b: {  	_ =	shalt  }
0x5c: {  	_ =	shalt  }
0x5d: {  	_ =	shalt  }
0x5e: {  	_ =	shalt  }
0x5f: {  	_ =	shalt  }
0x60: {  	_ =	shalt  }
0x61: {  	_ =	shalt  }
0x62: {  	_ =	shalt  }
0x63: {  	_ =	shalt  }
0x64: {  	_ =	shalt  }
0x65: {  	_ =	shalt  }
0x66: {  	_ =	shalt  }
0x67: {  	_ =	shalt  }
0x68: {  	_ =	shalt  }
0x69: {  	_ =	shalt  }
0x6a: {  	_ =	shalt  }
0x6b: {  	_ =	shalt  }
0x6c: {  	_ =	shalt  }
0x6d: {  	_ =	shalt  }
0x6e: {  	_ =	shalt  }
0x6f: {  	_ =	shalt  }
0x70: {  	_ =	shalt  }
0x71: {  	_ =	shalt  }
0x72: {  	_ =	shalt  }
0x73: {  	_ =	shalt  }
0x74: {  	_ =	shalt  }
0x75: {  	_ =	shalt  }
0x76: {  	_ =	shalt  }
0x77: {  	_ =	shalt  }
0x78: {  	_ =	shalt  }
0x79: {  	_ =	shalt  }
0x7a: {  	_ =	shalt  }
0x7b: {  	_ =	shalt  }
0x7c: {  	_ =	shalt  }
0x7d: {  	_ =	shalt  }
0x7e: {  	_ =	shalt  }
0x7f: {  	_ =	shalt  }
0x80: {  	_ =	shalt  }
0x81: {  	_ =	shalt  }
0x82: {  	_ =	shalt  }
0x83: {  	_ =	shalt  }
0x84: {  	_ =	shalt  }
0x85: {  	_ =	shalt  }
0x86: {  	_ =	shalt  }
0x87: {  	_ =	shalt  }
.Lfunc_end0:
.L_simem_size_0:
called_computation.1_lowered:
.L_overlay_start_0:
0x88: {  	s2 =	sld [smem:$0x3FD9]  }
0x89: {  	s3 =	sld [smem:$0x3FFE];
	_ =	sdelay $0x1  }
0x8a: {  	s1 =	srdreg.scid  }
0x8b: {  	s0 =	sand.u32 $0x1, s1  }
0x8c: {  	s18 =	sshll.u32 s0, $0xA;
	s2 =	sadd.s32 s3, s2  }
0x8d: {  	s2 =	sadd.s32 s2, s18  }
0x8e: {  	[smem:$0x3FC6] =	sst s2  }
0x8f: {  	_ = 	snop  }
0x90: {  	s2 =	sld [smem:$0x3FC8]  }
0x91: {  	s19 =	sld [smem:$0x3FD0];
	(tm) =	ssettm $0x1  }
0x92: {  	s4 =	sld [smem:$0x3FFB];
	_ =	sdelay $0x3  }
0x93: {  	_ =	strace s4  }
0x94: {  	s4 =	sld [smem:$0x3FFC];
	_ =	sdelay $0x3  }
0x95: {  	_ =	strace s4  }
0x96: {  	s4 =	sld [smem:$0x3FFD];
	_ =	sdelay $0x3  }
0x97: {  	_ =	strace s4  }
0x98: {  	_ =	strace $0x8FFFFFFF  }
0x99: {  	s20 =	sld [smem:$0x3FDB];
	_ =	sdelay $0x1  }
0x9a: {  	s5 =	simm.s32 $_scs_section_size  }
0x9b: {  	s6 =	simm.s32 $_size__tile_overlayer_lowered;
	s7 =	simm.s32 $_tile_overlayer_lowered  }
0x9c: {  	s23 =	simm.s32 $0x1BFF;
	s22 =	sshll.u32 s7, $0x1;
	s4 =	sadd.s32 s5, s20  }
0x9d: {  	s8 =	simm.s32 $0x0;
	s21 =	sshll.u32 s6, $0x1;
	s6 =	sadd.s32 s22, s4  }
0x9e: {  	[timem:s8], [sflag:s23] =	dma.local [hbm:s6], s21  }
0x9f: {  	_ =	swait.ge [sflag:s23], s21  }
0xa0: {  	s5 =	ssub.s32 $0x0, s21;
	[sflag:s23] =	ssyncset.done $0x0  }
0xa1: {  	[sflag:s23] =	ssyncadd.s32 s5;
	_ =	sdelay $0x1  }
0xa2: {  	s24 =	simm.s32 $0x1B8B  }
0xa3: {  	_ =	swait.ge [sflag:s24], $0x1  }
0xa4: {  	[sflag:s24] =	ssyncset.done $0x0  }
0xa5: {  	s25 =	simm.s32 $0x1B8E;
	[sflag:s24] =	ssyncadd.s32 $0xFFFFFFFF  }
0xa6: {  	s26 =	simm.s32 $execute0_lowered;
	[smem:$0x3FD2] =	sst s25  }
0xa7: {  	s5 =	sshll.u32 s26, $0x1;
	_ =	strace $0x80000049;
	[dreg:$0x1] =	wrdreg $0xFFFFFFFF  }
0xa8: {  	s28 =	simm.s32 $_size_execute0_lowered;
	s4 =	sadd.s32 s4, s5;
	[dreg:$0x0] =	wrdreg $0x0  }
0xa9: {  	s5 =	sshll.u32 s28, $0x1;
	[dreg:$0x2] =	wrdreg s4  }
0xaa: {  	[dreg:$0x3] =	wrdreg s5  }
0xab: {  	[dreg:$0x4] =	wrdreg $0xC0  }
0xac: {  	_ =	task [dreg:s8], $0x5FFFF  }
0xad: {  	[dreg:$0x1] =	wrdreg $0xFFFFFFFF  }
0xae: {  	[dreg:$0x0] =	wrdreg $0x60  }
0xaf: {  	[dreg:$0x2] =	wrdreg s2  }
0xb0: {  	[dreg:$0x3] =	wrdreg s19  }
0xb1: {  	[dreg:$0x4] =	wrdreg $0x9  }
0xb2: {  	_ =	task.clear_ibuf [dreg:s8], $0x5FFFF;
	_ =	strace $0x90000049  }
0xb3: {  	s29 =	simm.s32 $0x9;
	_ =	strace $0x8000004B  }
0xb4: {  	_ =	swait.ge [sflag:s29], $0x1  }
0xb5: {  	[sflag:s29] =	ssyncadd.s32 $0xFFFFFFFF  }
0xb6: {  	_ =	strace $0x9000004B  }
0xb7: {  	_ =	sfence  }
0xb8: {  	s30 =	sld [smem:$0x0];
	_ =	sdelay $0x2  }
0xb9: {  	s31 =	sshll.u32 s1, $0xD;
	s1 =	sshrl.u32 s1, $0x2  }
0xba: {  	s3 =	sand.u32 $0x4000, s31;
	s1 =	sadd.s32 s1, s30  }
0xbb: {  	s0 =	sor.u32 s3, s0;
	s1 =	sshll.u32 s1, $0x11  }
0xbc: {  	s0 =	sor.u32 s1, s0  }
0xbd: {  	s0 =	sadd.s32 $0x8F2B, s0  }
0xbe: {  	[sflag:s0] =	ssyncadd.remote.s32 $0x1  }
0xbf: {  	_ =	sfence.sel $0xFFFF  }
0xc0: {  	[dreg:$0x0] =	wrdreg $0xFFFFFFFF;
	(pc) =	sbr.abs _section_cstart, $3  }
0xc1: {  	[dreg:$0x1] =	wrdreg $0xFFFFFFFF  }
0xc2: {  	_ =	task.clear_ibuf [dreg:s8], $0x2FFFF;
	_ =	strace $0x9FFFFFFF  }
0xc3: {  	(tm) =	ssettm $0x7FFFFFFF  }
tec
execute0_lowered:
.L_overlay_start_1:
0x0: {  	(tag) =	ssettag $0x1  }
0x1: {  	s1 =	rddreg [dreg:$0x0]  }
0x2: {  	s0 =	rddreg [dreg:$0x1]  }
0x3: {  	s3 =	srdreg.scid;
	s2 =	simm.s32 $0x0;
	s10 =	stileid.u32  }
0x4: {  	s11 =	simm.s32 $0xC100;
	s12 =	simm.s32 $0xC900;
	s13 =	simm.s32 $0xD100  }
0x5: {  	s14 =	simm.s32 $0xD900;
	s15 =	simm.s32 $0xE100;
	s16 =	simm.s32 $0xE900  }
0x6: {  	s17 =	simm.s32 $0xF100;
	s18 =	simm.s32 $0xF900;
	s19 =	simm.s32 $0x3  }
0x7: {  	s20 =	simm.s32 $0x4;
	s21 =	simm.s32 $0x0;
	s3 =	sand.u32 $0x1, s3  }
0x8: {  	[smem:$0x7FF] =	sst s2;
	s8 =	sshll.u32 s10, $0x9;
	s6 =	sadd.s32 $0x300, s1  }
0x9: {  	s31 =	sshll.u32 s10, $0x10;
	s10 =	simm.s32 $0xB900;
	s4 =	ssub.s32 $0x2, s3  }
.Ltmp0:
0xa: {  	_ =	strace $0x8000004A;
	s9 =	sshll.u32 s3, $0x8;
	(pc) =	sbr.rel .LBB2_1-.Ltmp0, $4  }
0xb: {  	s0 =	sadd.s32 s31, s0;
	s3 =	sshll.u32 s3, $0xF;
	s5 =	sshrl.u32 s4, $0x1  }
0xc: {  	v0 =	vlaneseq.u32;
	s8 =	sor.u32 s9, s8;
	s9 =	sadd.s32 s3, s0;
	s0 =	simm.s32 $0xA900  }
0xd: {  	vm0 =	vmmov $0xffff;
	v2 =	vshrl.u32 v0, $0x3;
	s3 =	simm.s32 $0xB100;
	s7 =	ssub.s32 s4, s5;
	s4 =	sadd.s32 $0x100, s1  }
0xe: {  	v1 =	vand.u32 $0x7, v0;
	v3 =	vor.u32 $0x8, v0;
	v2 =	vmul.u32 $0x8, v2;
	s5 =	sadd.s32 $0x200, s1;
	s8 =	sor.u32 $0x2, s8;
	s7 =	smax.u32 s7, $0x1  }
.LBB2_7:
0xf: {  	_ =	swait.ge [sflag:s19], $0x8000  }
0x10: {  	[sflag:s19] =	ssyncset.done $0x0  }
0x11: {  	[sflag:s19] =	ssyncadd.s32 $0xFFFF8000  }
0x12: {  	_ =	swait.ge [sflag:s19], $0x8000  }
0x13: {  	[sflag:s19] =	ssyncset.done $0x0  }
0x14: {  	[sflag:s19] =	ssyncadd.s32 $0xFFFF8000  }
0x15: {  	_ =	swait.ge [sflag:s19], $0x8000  }
0x16: {  	[sflag:s19] =	ssyncset.done $0x0  }
0x17: {  	[sflag:s19] =	ssyncadd.s32 $0xFFFF8000  }
0x18: {  	_ =	swait.ge [sflag:s19], $0x8000  }
0x19: {  	[sflag:s19] =	ssyncset.done $0x0  }
0x1a: {  	[sflag:s19] =	ssyncadd.s32 $0xFFFF8000  }
0x1b: {  	_ =	swait.ge [sflag:s20], $0x8000  }
0x1c: {  	[sflag:s20] =	ssyncset.done $0x0  }
0x1d: {  	[sflag:s20] =	ssyncadd.s32 $0xFFFF8000  }
0x1e: {  	_ =	swait.ge [sflag:s20], $0x8000  }
0x1f: {  	[sflag:s20] =	ssyncset.done $0x0  }
0x20: {  	s21 =	sadd.s32 $0x1, s21;
	[sflag:s20] =	ssyncadd.s32 $0xFFFF8000  }
0x21: {  	p0 =	sne.s32 s21, s7;
	_ =	swait.ge [sflag:s20], $0x8000  }
.Ltmp1:
0x22: {  	[sflag:s20] =	ssyncset.done $0x0;
	(pc) =	sbr.rel @!p0 .LBB2_8-.Ltmp1, $4  }
0x23: {  	[sflag:s20] =	ssyncadd.s32 $0xFFFF8000  }
0x24: {  	_ =	swait.ge [sflag:s20], $0x8000  }
0x25: {  	[sflag:s20] =	ssyncset.done $0x0  }
0x26: {  	[sflag:s20] =	ssyncadd.s32 $0xFFFF8000  }
.LBB2_1:
0x27: {  	s22 =	simm.s32 $0x40;
	v4 =	vadd.s32 s8, v0;
	s24 =	simm.s32 $0x0;
	s23 =	smov.u32 s8  }
.LBB2_2:
0x28: {  	p0 =	sne.s32 s22, $0x3C0  }
0x29: {  	[tilespmem:s24+$0x0] =	vst v4;
	s23 =	sadd.s32 $0x10, s23;
	s24 =	smov.u32 s22;
	s22 =	sadd.s32 $0x40, s22  }
.Ltmp2:
0x2a: {  	(pc) =	sbr.rel @p0 .LBB2_2-.Ltmp2, $2  }
0x2b: {  	_ =	sdelay $0x2  }
0x2c: {  	v4 =	vadd.s32 s23, v0;
	s24 =	sshra.s32 s24, $0x2  }
0x2d: {  	[tilespmem:s24+$0x0] =	vst v4  }
0x2e: {  	v4 =	vld [tilespmem:$0x0];
	_ =	sdelay $0x4  }
0x2f: {  	v5 =	vshll.u32 v4, $0x3  }
0x30: {  	v4 =	vand.u32 $0x7, v4;
	v5 =	vand.u32 $0xFFFFFFC0, v5  }
0x31: {  	v4 =	vor.u32 v4, v5  }
0x32: {  	v5 =	vperm.xlane v4, v1;
	_ =	sdelay $0x1  }
0x33: {  	v5 =	vadd.s32 v2, v5;
	_ =	sdelay $0x3  }
0x34: {  	s22 =	simm.s32 $0x0;
	s23 =	simm.s32 $0x100  }
0x35: {  	[tilespmem:s23], [sflag:$0x1] =	stream.indirect_vreg.gather [hbm4b:s1+s22], $0x80, v5, vm0, $0xb8;
	[tilespmem:$0x10100] =	vst v63  }
0x36: {  	s25 =	simm.s32 $0x900;
	v4 =	vperm.xlane v4, v3  }
0x37: {  	[tilespmem:s25], [sflag:$0x1] =	stream.indirect_vreg.gather [hbm4b:s4+s22], $0x80, v5, vm0, $0xb8;
	[tilespmem:$0x10100] =	vst v63  }
0x38: {  	s26 =	simm.s32 $0x1100;
	v4 =	vadd.s32 v2, v4  }
0x39: {  	[tilespmem:s26], [sflag:$0x1] =	stream.indirect_vreg.gather [hbm4b:s5+s22], $0x80, v5, vm0, $0xb8;
	[tilespmem:$0x10100] =	vst v63  }
0x3a: {  	s28 =	simm.s32 $0x1900  }
0x3b: {  	[tilespmem:s28], [sflag:$0x1] =	stream.indirect_vreg.gather [hbm4b:s6+s22], $0x80, v5, vm0, $0xb8;
	[tilespmem:$0x10100] =	vst v63  }
0x3c: {  	s29 =	simm.s32 $0x2100  }
0x3d: {  	[tilespmem:s29], [sflag:$0x1] =	stream.indirect_vreg.gather [hbm4b:s1+s22], $0x80, v4, vm0, $0xb8;
	[tilespmem:$0x10100] =	vst v63  }
0x3e: {  	s30 =	simm.s32 $0x2900  }
0x3f: {  	[tilespmem:s30], [sflag:$0x1] =	stream.indirect_vreg.gather [hbm4b:s4+s22], $0x80, v4, vm0, $0xb8;
	[tilespmem:$0x10100] =	vst v63  }
0x40: {  	s31 =	simm.s32 $0x3100  }
0x41: {  	[tilespmem:s31], [sflag:$0x1] =	stream.indirect_vreg.gather [hbm4b:s5+s22], $0x80, v4, vm0, $0xb8;
	[tilespmem:$0x10100] =	vst v63  }
0x42: {  	s24 =	simm.s32 $0x3900  }
0x43: {  	[tilespmem:s24], [sflag:$0x1] =	stream.indirect_vreg.gather [hbm4b:s6+s22], $0x80, v4, vm0, $0xb8;
	[tilespmem:$0x10100] =	vst v63  }
0x44: {  	v4 =	vld [tilespmem:$0x10];
	_ =	sdelay $0x4  }
0x45: {  	v5 =	vshll.u32 v4, $0x3  }
0x46: {  	v4 =	vand.u32 $0x7, v4;
	v5 =	vand.u32 $0xFFFFFFC0, v5  }
0x47: {  	v4 =	vor.u32 v4, v5  }
0x48: {  	v5 =	vperm.xlane v4, v1;
	_ =	sdelay $0x1  }
0x49: {  	v5 =	vadd.s32 v2, v5;
	_ =	sdelay $0x3  }
0x4a: {  	s25 =	simm.s32 $0x4100  }
0x4b: {  	[tilespmem:s25], [sflag:$0x1] =	stream.indirect_vreg.gather [hbm4b:s1+s22], $0x80, v5, vm0, $0xb8;
	[tilespmem:$0x10100] =	vst v63  }
0x4c: {  	s26 =	simm.s32 $0x4900;
	v4 =	vperm.xlane v4, v3  }
0x4d: {  	[tilespmem:s26], [sflag:$0x1] =	stream.indirect_vreg.gather [hbm4b:s4+s22], $0x80, v5, vm0, $0xb8;
	[tilespmem:$0x10100] =	vst v63  }
0x4e: {  	s28 =	simm.s32 $0x5100;
	v4 =	vadd.s32 v2, v4  }
0x4f: {  	[tilespmem:s28], [sflag:$0x1] =	stream.indirect_vreg.gather [hbm4b:s5+s22], $0x80, v5, vm0, $0xb8;
	[tilespmem:$0x10100] =	vst v63  }
0x50: {  	s29 =	simm.s32 $0x5900  }
0x51: {  	[tilespmem:s29], [sflag:$0x1] =	stream.indirect_vreg.gather [hbm4b:s6+s22], $0x80, v5, vm0, $0xb8;
	[tilespmem:$0x10100] =	vst v63  }
0x52: {  	s30 =	simm.s32 $0x6100  }
0x53: {  	[tilespmem:s30], [sflag:$0x1] =	stream.indirect_vreg.gather [hbm4b:s1+s22], $0x80, v4, vm0, $0xb8;
	[tilespmem:$0x10100] =	vst v63  }
0x54: {  	s31 =	simm.s32 $0x6900  }
0x55: {  	[tilespmem:s31], [sflag:$0x1] =	stream.indirect_vreg.gather [hbm4b:s4+s22], $0x80, v4, vm0, $0xb8;
	[tilespmem:$0x10100] =	vst v63  }
0x56: {  	s24 =	simm.s32 $0x7100  }
0x57: {  	[tilespmem:s24], [sflag:$0x1] =	stream.indirect_vreg.gather [hbm4b:s5+s22], $0x80, v4, vm0, $0xb8;
	[tilespmem:$0x10100] =	vst v63  }
0x58: {  	s25 =	simm.s32 $0x7900  }
0x59: {  	[tilespmem:s25], [sflag:$0x1] =	stream.indirect_vreg.gather [hbm4b:s6+s22], $0x80, v4, vm0, $0xb8;
	[tilespmem:$0x10100] =	vst v63  }
0x5a: {  	v4 =	vld [tilespmem:$0x20];
	_ =	sdelay $0x4  }
0x5b: {  	v5 =	vshll.u32 v4, $0x3  }
0x5c: {  	v4 =	vand.u32 $0x7, v4;
	v5 =	vand.u32 $0xFFFFFFC0, v5  }
0x5d: {  	v4 =	vor.u32 v4, v5  }
0x5e: {  	v5 =	vperm.xlane v4, v1;
	_ =	sdelay $0x1  }
0x5f: {  	v5 =	vadd.s32 v2, v5;
	_ =	sdelay $0x3  }
0x60: {  	s26 =	simm.s32 $0x8100  }
0x61: {  	[tilespmem:s26], [sflag:$0x2] =	stream.indirect_vreg.gather [hbm4b:s1+s22], $0x80, v5, vm0, $0xb8;
	[tilespmem:$0x10100] =	vst v63  }
0x62: {  	s28 =	simm.s32 $0x8900;
	v4 =	vperm.xlane v4, v3  }
0x63: {  	[tilespmem:s28], [sflag:$0x2] =	stream.indirect_vreg.gather [hbm4b:s4+s22], $0x80, v5, vm0, $0xb8;
	[tilespmem:$0x10100] =	vst v63  }
0x64: {  	s29 =	simm.s32 $0x9100;
	v4 =	vadd.s32 v2, v4  }
0x65: {  	[tilespmem:s29], [sflag:$0x2] =	stream.indirect_vreg.gather [hbm4b:s5+s22], $0x80, v5, vm0, $0xb8;
	[tilespmem:$0x10100] =	vst v63  }
0x66: {  	s30 =	simm.s32 $0x9900  }
0x67: {  	[tilespmem:s30], [sflag:$0x2] =	stream.indirect_vreg.gather [hbm4b:s6+s22], $0x80, v5, vm0, $0xb8;
	[tilespmem:$0x10100] =	vst v63  }
0x68: {  	s31 =	simm.s32 $0xA100  }
0x69: {  	[tilespmem:s31], [sflag:$0x2] =	stream.indirect_vreg.gather [hbm4b:s1+s22], $0x80, v4, vm0, $0xb8;
	[tilespmem:$0x10100] =	vst v63  }
0x6a: {  	_ = 	snop  }
0x6b: {  	[tilespmem:s0], [sflag:$0x2] =	stream.indirect_vreg.gather [hbm4b:s4+s22], $0x80, v4, vm0, $0xb8;
	[tilespmem:$0x10100] =	vst v63  }
0x6c: {  	_ = 	snop  }
0x6d: {  	[tilespmem:s3], [sflag:$0x2] =	stream.indirect_vreg.gather [hbm4b:s5+s22], $0x80, v4, vm0, $0xb8;
	[tilespmem:$0x10100] =	vst v63  }
0x6e: {  	_ = 	snop  }
0x6f: {  	[tilespmem:s10], [sflag:$0x2] =	stream.indirect_vreg.gather [hbm4b:s6+s22], $0x80, v4, vm0, $0xb8;
	[tilespmem:$0x10100] =	vst v63  }
0x70: {  	v4 =	vld [tilespmem:$0x30];
	_ =	sdelay $0x4  }
0x71: {  	v5 =	vshll.u32 v4, $0x3  }
0x72: {  	v4 =	vand.u32 $0x7, v4;
	v5 =	vand.u32 $0xFFFFFFC0, v5  }
0x73: {  	v4 =	vor.u32 v4, v5  }
0x74: {  	v5 =	vperm.xlane v4, v1;
	_ =	sdelay $0x1  }
0x75: {  	v5 =	vadd.s32 v2, v5;
	_ =	sdelay $0x4  }
0x76: {  	[tilespmem:s11], [sflag:$0x2] =	stream.indirect_vreg.gather [hbm4b:s1+s22], $0x80, v5, vm0, $0xb8;
	[tilespmem:$0x10100] =	vst v63  }
0x77: {  	v4 =	vperm.xlane v4, v3  }
0x78: {  	[tilespmem:s12], [sflag:$0x2] =	stream.indirect_vreg.gather [hbm4b:s4+s22], $0x80, v5, vm0, $0xb8;
	[tilespmem:$0x10100] =	vst v63  }
0x79: {  	v4 =	vadd.s32 v2, v4  }
0x7a: {  	[tilespmem:s13], [sflag:$0x2] =	stream.indirect_vreg.gather [hbm4b:s5+s22], $0x80, v5, vm0, $0xb8;
	[tilespmem:$0x10100] =	vst v63  }
0x7b: {  	_ = 	snop  }
0x7c: {  	[tilespmem:s14], [sflag:$0x2] =	stream.indirect_vreg.gather [hbm4b:s6+s22], $0x80, v5, vm0, $0xb8;
	[tilespmem:$0x10100] =	vst v63  }
0x7d: {  	_ = 	snop  }
0x7e: {  	[tilespmem:s15], [sflag:$0x2] =	stream.indirect_vreg.gather [hbm4b:s1+s22], $0x80, v4, vm0, $0xb8;
	[tilespmem:$0x10100] =	vst v63  }
0x7f: {  	_ = 	snop  }
0x80: {  	[tilespmem:s16], [sflag:$0x2] =	stream.indirect_vreg.gather [hbm4b:s4+s22], $0x80, v4, vm0, $0xb8;
	[tilespmem:$0x10100] =	vst v63  }
.Ltmp3:
0x81: {  	_ = 	snop;
	(pc) =	sbr.rel .LBB2_4-.Ltmp3, $4  }
0x82: {  	_ = 	snop  }
0x83: {  	[tilespmem:s17], [sflag:$0x2] =	stream.indirect_vreg.gather [hbm4b:s5+s22], $0x80, v4, vm0, $0xb8;
	[tilespmem:$0x10100] =	vst v63  }
0x84: {  	s23 =	simm.s32 $0x50;
	s24 =	simm.s32 $0x0  }
0x85: {  	[tilespmem:s18], [sflag:$0x2] =	stream.indirect_vreg.gather [hbm4b:s6+s22], $0x80, v4, vm0, $0xb8;
	[tilespmem:$0x10100] =	vst v63  }
.LBB2_6:
0x86: {  	s22 =	sadd.s32 $0x1000, s22  }
0x87: {  	p0 =	sne.s32 s22, $0x8000  }
.Ltmp4:
0x88: {  	_ = 	snop;
	(pc) =	sbr.rel @!p0 .LBB2_7-.Ltmp4, $2  }
0x89: {  	_ =	sdelay $0x2  }
0x8a: {  	s24 =	sadd.s32 $0x1, s24;
	s23 =	sadd.s32 $0x20, s23  }
.LBB2_4:
0x8b: {  	s29 =	sand.u32 $0x1, s24  }
0x8c: {  	s25 =	sadd.s32 $0x1, s29  }
0x8d: {  	_ =	swait.ge [sflag:s25], $0x8000  }
0x8e: {  	s30 =	sadd.s32 s22, s9;
	s26 =	sshll.u32 s29, $0xF;
	[sflag:s25] =	ssyncset.done $0x0  }
0x8f: {  	s29 =	sadd.s32 $0x3, s29;
	s28 =	sor.u32 $0x100, s26;
	[sflag:s25] =	ssyncadd.s32 $0xFFFF8000  }
0x90: {  	[hbm4b:s30+s2] =	stream.linear.scatter [tilespmem:s28], [sflag:s29], $0x8000, $0x38;
	[tilespmem:$0x10100] =	vst v63  }
0x91: {  	p0 =	sgt.u32 s24, $0x5;
	s31 =	sadd.s32 $0x100000, s30  }
0x92: {  	[hbm4b:s31+s2] =	stream.linear.scatter [tilespmem:s28], [sflag:s29], $0x8000, $0x38;
	[tilespmem:$0x10100] =	vst v63  }
.Ltmp5:
0x93: {  	_ = 	snop;
	(pc) =	sbr.rel @p0 .LBB2_6-.Ltmp5, $4  }
0x94: {  	s31 =	sadd.s32 $0x200000, s30  }
0x95: {  	[hbm4b:s31+s2] =	stream.linear.scatter [tilespmem:s28], [sflag:s29], $0x8000, $0x38;
	[tilespmem:$0x10100] =	vst v63  }
0x96: {  	s30 =	sadd.s32 $0x300000, s30  }
0x97: {  	[hbm4b:s30+s2] =	stream.linear.scatter [tilespmem:s28], [sflag:s29], $0x8000, $0x38;
	[tilespmem:$0x10100] =	vst v63  }
0x98: {  	_ =	swait.ge [sflag:s29], $0x8000  }
0x99: {  	[sflag:s29] =	ssyncset.done $0x0  }
0x9a: {  	[sflag:s29] =	ssyncadd.s32 $0xFFFF8000  }
0x9b: {  	_ =	swait.ge [sflag:s29], $0x8000  }
0x9c: {  	[sflag:s29] =	ssyncset.done $0x0  }
0x9d: {  	[sflag:s29] =	ssyncadd.s32 $0xFFFF8000  }
0x9e: {  	_ =	swait.ge [sflag:s29], $0x8000  }
0x9f: {  	[sflag:s29] =	ssyncset.done $0x0  }
0xa0: {  	[sflag:s29] =	ssyncadd.s32 $0xFFFF8000  }
0xa1: {  	_ =	swait.ge [sflag:s29], $0x8000  }
0xa2: {  	[sflag:s29] =	ssyncset.done $0x0  }
0xa3: {  	[sflag:s29] =	ssyncadd.s32 $0xFFFF8000  }
0xa4: {  	v4 =	vld [tilespmem:s23+$0xFFFFFFF0];
	_ =	sdelay $0x4  }
0xa5: {  	v5 =	vshll.u32 v4, $0x3  }
0xa6: {  	v4 =	vand.u32 $0x7, v4;
	v5 =	vand.u32 $0xFFFFFFC0, v5  }
0xa7: {  	v4 =	vor.u32 v4, v5  }
0xa8: {  	v5 =	vperm.xlane v4, v1;
	_ =	sdelay $0x1  }
0xa9: {  	v5 =	vadd.s32 v2, v5;
	_ =	sdelay $0x4  }
0xaa: {  	[tilespmem:s28], [sflag:s25] =	stream.indirect_vreg.gather [hbm4b:s1+s2], $0x80, v5, vm0, $0xb8;
	[tilespmem:$0x10100] =	vst v63  }
0xab: {  	s29 =	sadd.s32 $0x900, s26;
	v4 =	vperm.xlane v4, v3  }
0xac: {  	[tilespmem:s29], [sflag:s25] =	stream.indirect_vreg.gather [hbm4b:s4+s2], $0x80, v5, vm0, $0xb8;
	[tilespmem:$0x10100] =	vst v63  }
0xad: {  	s30 =	sadd.s32 $0x1100, s26;
	v4 =	vadd.s32 v2, v4  }
0xae: {  	[tilespmem:s30], [sflag:s25] =	stream.indirect_vreg.gather [hbm4b:s5+s2], $0x80, v5, vm0, $0xb8;
	[tilespmem:$0x10100] =	vst v63  }
0xaf: {  	s31 =	sadd.s32 $0x1900, s26  }
0xb0: {  	[tilespmem:s31], [sflag:s25] =	stream.indirect_vreg.gather [hbm4b:s6+s2], $0x80, v5, vm0, $0xb8;
	[tilespmem:$0x10100] =	vst v63  }
0xb1: {  	s29 =	sadd.s32 $0x2100, s26  }
0xb2: {  	[tilespmem:s29], [sflag:s25] =	stream.indirect_vreg.gather [hbm4b:s1+s2], $0x80, v4, vm0, $0xb8;
	[tilespmem:$0x10100] =	vst v63  }
0xb3: {  	s30 =	sadd.s32 $0x2900, s26  }
0xb4: {  	[tilespmem:s30], [sflag:s25] =	stream.indirect_vreg.gather [hbm4b:s4+s2], $0x80, v4, vm0, $0xb8;
	[tilespmem:$0x10100] =	vst v63  }
0xb5: {  	s31 =	sadd.s32 $0x3100, s26  }
0xb6: {  	[tilespmem:s31], [sflag:s25] =	stream.indirect_vreg.gather [hbm4b:s5+s2], $0x80, v4, vm0, $0xb8;
	[tilespmem:$0x10100] =	vst v63  }
0xb7: {  	s29 =	sadd.s32 $0x3900, s26  }
0xb8: {  	[tilespmem:s29], [sflag:s25] =	stream.indirect_vreg.gather [hbm4b:s6+s2], $0x80, v4, vm0, $0xb8;
	[tilespmem:$0x10100] =	vst v63  }
0xb9: {  	v4 =	vld [tilespmem:s23+$0x0];
	_ =	sdelay $0x4  }
0xba: {  	v5 =	vshll.u32 v4, $0x3  }
0xbb: {  	v4 =	vand.u32 $0x7, v4;
	v5 =	vand.u32 $0xFFFFFFC0, v5  }
0xbc: {  	v4 =	vor.u32 v4, v5  }
0xbd: {  	v5 =	vperm.xlane v4, v1;
	_ =	sdelay $0x1  }
0xbe: {  	v5 =	vadd.s32 v2, v5;
	_ =	sdelay $0x3  }
0xbf: {  	s30 =	sadd.s32 $0x4100, s26  }
0xc0: {  	[tilespmem:s30], [sflag:s25] =	stream.indirect_vreg.gather [hbm4b:s1+s2], $0x80, v5, vm0, $0xb8;
	[tilespmem:$0x10100] =	vst v63  }
0xc1: {  	s31 =	sadd.s32 $0x4900, s26;
	v4 =	vperm.xlane v4, v3  }
0xc2: {  	[tilespmem:s31], [sflag:s25] =	stream.indirect_vreg.gather [hbm4b:s4+s2], $0x80, v5, vm0, $0xb8;
	[tilespmem:$0x10100] =	vst v63  }
0xc3: {  	s29 =	sadd.s32 $0x5100, s26;
	v4 =	vadd.s32 v2, v4  }
0xc4: {  	[tilespmem:s29], [sflag:s25] =	stream.indirect_vreg.gather [hbm4b:s5+s2], $0x80, v5, vm0, $0xb8;
	[tilespmem:$0x10100] =	vst v63  }
0xc5: {  	s30 =	sadd.s32 $0x5900, s26  }
0xc6: {  	[tilespmem:s30], [sflag:s25] =	stream.indirect_vreg.gather [hbm4b:s6+s2], $0x80, v5, vm0, $0xb8;
	[tilespmem:$0x10100] =	vst v63  }
0xc7: {  	s31 =	sadd.s32 $0x6100, s26  }
0xc8: {  	[tilespmem:s31], [sflag:s25] =	stream.indirect_vreg.gather [hbm4b:s1+s2], $0x80, v4, vm0, $0xb8;
	[tilespmem:$0x10100] =	vst v63  }
0xc9: {  	s29 =	sadd.s32 $0x6900, s26  }
0xca: {  	[tilespmem:s29], [sflag:s25] =	stream.indirect_vreg.gather [hbm4b:s4+s2], $0x80, v4, vm0, $0xb8;
	[tilespmem:$0x10100] =	vst v63  }
.Ltmp6:
0xcb: {  	_ = 	snop;
	(pc) =	sbr.rel .LBB2_6-.Ltmp6, $4  }
0xcc: {  	s30 =	sadd.s32 $0x7100, s26  }
0xcd: {  	[tilespmem:s30], [sflag:s25] =	stream.indirect_vreg.gather [hbm4b:s5+s2], $0x80, v4, vm0, $0xb8;
	[tilespmem:$0x10100] =	vst v63  }
0xce: {  	s31 =	sadd.s32 $0x7900, s26  }
0xcf: {  	[tilespmem:s31], [sflag:s25] =	stream.indirect_vreg.gather [hbm4b:s6+s2], $0x80, v4, vm0, $0xb8;
	[tilespmem:$0x10100] =	vst v63  }
.LBB2_8:
0xd0: {  	_ =	sfence.sel $0x180000  }
0xd1: {  	[bflag:$0x0] =	sbarrier.arrive $0xFFFF  }
0xd2: {  	_ =	strace $0x9000004A  }
0xd3: {  	s0 =	stileid.u32;
	[bflag:$0x2] =	sbarrier.arrive $0xFFFF  }
0xd4: {  	p0 =	sne.s32 s0, $0x0;
	s0 =	rddreg [dreg:$0x2]  }
0xd5: {  	s0 =	sadd.s32 @!p0 $0x100000, s0  }
0xd6: {  	[sflag:s0] =	ssyncadd.tile.s32 @!p0 $0x1;
	_ =	shalt  }
.Lfunc_end2:
_tile_overlayer_lowered:
.L_overlay_start_2:
0xd7: {  	(tag) =	ssettag $0x2  }
0xd8: {  	s0 =	rddreg [dreg:$0x0];
	s2 =	stileid.u32  }
0xd9: {  	s1 =	rddreg [dreg:$0x1];
	p0 =	sne.s32 s2, $0x0  }
0xda: {  	s3 =	rddreg [dreg:$0x2];
	[bflag:$0x3] =	sbarrier.arrive $0xFFFF;
	s2 =	simm.s32 @!p0 $0x1C05  }
0xdb: {  	[timem:s3], [sflag:s2] =	dma.local @!p0 [hbm:s0], s1  }
0xdc: {  	s0 =	simm.s32 @!p0 $0x5  }
0xdd: {  	_ =	swait.ge @!p0 [sflag:s0], s1  }
0xde: {  	s1 =	ssub.s32 @!p0 $0x0, s1;
	[sflag:s0] =	ssyncset.done @!p0 $0x0  }
0xdf: {  	[sflag:s0] =	ssyncadd.s32 @!p0 s1  }
0xe0: {  	[bflag:$0x3] =	sbarrier.arrive $0xFFFF  }
0xe1: {  	_ =	shalt  }

// kernel: kernel.7.cloned.1.call-start
scs
__scs_entry_jumppad:
0x0: {  	(pc) =	sbr.rel $0x88, $3  }
0x1: {  	(tag) =	ssettag $0x0;
	lr =	simm.s32 $0x1  }
0x2: {  	[smem:$0x3F9F] =	sst lr;
	_ =	strace $0xD0000000  }
0x3: {  	_ = 	snop  }
0x4: {  	_ = 	snop  }
0x5: {  	_ = 	snop  }
0x6: {  	_ = 	snop  }
0x7: {  	_ = 	snop  }
__scs_overlays_trampoline_lowered:
0x8: {  	[smem:$0x3FAE] =	sst s0  }
0x9: {  	[smem:$0x3FAF] =	sst s1  }
0xa: {  	[smem:$0x3FB0] =	sst s2  }
0xb: {  	[smem:$0x3FB1] =	sst s3  }
0xc: {  	[smem:$0x3FB2] =	sst s4  }
0xd: {  	[smem:$0x3FB3] =	sst s5  }
0xe: {  	[smem:$0x3FB4] =	sst s6  }
0xf: {  	[smem:$0x3FB5] =	sst s7  }
0x10: {  	[smem:$0x3FB6] =	sst s8  }
0x11: {  	[smem:$0x3FB7] =	sst s9;
	s0 =	simm.s32 @!p0 $0x0  }
0x12: {  	s1 =	sld [smem:$0x3F9D];
	s0 =	simm.s32 @p0 $0x1  }
0x13: {  	[smem:$0x3FB8] =	sst s0;
	s0 =	simm.s32 @!p1 $0x0  }
0x14: {  	s2 =	sld [smem:$0x3F9C];
	s0 =	simm.s32 @p1 $0x1  }
0x15: {  	[smem:$0x3FB9] =	sst s0;
	s0 =	simm.s32 @!p2 $0x0  }
0x16: {  	s3 =	sld [smem:$0x3FDB];
	s0 =	simm.s32 @p2 $0x1  }
0x17: {  	s4 =	simm.s32 $0x1BF5;
	[smem:$0x3FBB] =	sst s0  }
0x18: {  	s0 =	sld [smem:$0x3F9E];
	_ =	swait.ge [sflag:s4], $0x0  }
0x19: {  	s7 =	sld [smem:$0x3F9F]  }
0x1a: {  	s8 =	sadd.s32 $0xFFFFE003, lr  }
0x1b: {  	s9 =	sadd.s32 $0xFFFFFEF7, lr;
	s5 =	simm.s32 $0xFFFFFFFF;
	p2 =	slt.u32 s8, $0xFFFFF086  }
0x1c: {  	p1 =	slt.u32 s9, $0xF7A;
	s5 =	simm.s32 @!p2 $0x0  }
0x1d: {  	s5 =	simm.s32 @p1 $0x1;
	p0 =	seq.s32 s7, s2  }
0x1e: {  	s7 =	smul.u32 @!p0 $0xF7A, s2;
	p2 =	seq.s32 @!p0 s5, $0x0  }
0x1f: {  	s9 =	smul.u32 $0xF7A, s1;
	s8 =	simm.s32 @!p0 $0x1BF5;
	p2 =	por !p2, p0  }
0x20: {  	[sflag:s8] =	ssyncset.s32 @!p0 $0xFFFFF086;
	s6 =	sadd.s32 @!p0 s3, s7;
	s7 =	simm.s32 @!p0 $0x108  }
0x21: {  	s3 =	sadd.s32 s3, s9;
	s6 =	sadd.s32 @!p0 $0x88, s6;
	s7 =	simm.s32 @p2 $0x1082  }
0x22: {  	[simem:s7], [sflag:s8] =	dma.local @!p0 [hbm:s6], $0xF7A  }
0x23: {  	s9 =	sor.u32 $0xD0000000, s2;
	s6 =	simm.s32 $0x108;
	_ =	swait.ge @!p0 [sflag:s8], $0x0  }
0x24: {  	s3 =	sadd.s32 $0x88, s3;
	s6 =	simm.s32 @!p1 $0x1082;
	[sflag:s4] =	ssyncset.s32 $0xFFFFF086  }
0x25: {  	[simem:s6], [sflag:s4] =	dma.local [hbm:s3], $0xF7A  }
0x26: {  	[smem:$0x3F9F] =	sst s1;
	(tag) =	ssettag s2;
	_ =	strace s9  }
0x27: {  	s1 =	sld [smem:$0x3FAF]  }
0x28: {  	s2 =	sld [smem:$0x3FB0]  }
0x29: {  	s4 =	sld [smem:$0x3FB2]  }
0x2a: {  	p0 =	seq.s32 s5, $0x0;
	s5 =	sld [smem:$0x3FB3]  }
0x2b: {  	s6 =	sld [smem:$0x3FB4]  }
0x2c: {  	s7 =	sld [smem:$0x3FB5]  }
0x2d: {  	s3 =	simm.s32 $0x108;
	s8 =	sld [smem:$0x3FB6]  }
0x2e: {  	s3 =	simm.s32 @!p0 $0x1082;
	s9 =	sld [smem:$0x3FB7]  }
0x2f: {  	lr =	sadd.s32 s0, s3;
	s0 =	sld [smem:$0x3FAE]  }
0x30: {  	s3 =	sld [smem:$0x3FB1]  }
0x31: {  	[smem:$0x3FBA] =	sst s10  }
0x32: {  	s10 =	sld [smem:$0x3FB8];
	_ =	sdelay $0x3  }
0x33: {  	p0 =	seq.s32 s10, $0x1;
	s10 =	sld [smem:$0x3FBA];
	_ =	sdelay $0x3  }
0x34: {  	[smem:$0x3FBA] =	sst s10  }
0x35: {  	s10 =	sld [smem:$0x3FB9];
	_ =	sdelay $0x3  }
0x36: {  	p1 =	seq.s32 s10, $0x1;
	s10 =	sld [smem:$0x3FBA];
	_ =	sdelay $0x3  }
0x37: {  	[smem:$0x3FBA] =	sst s10  }
0x38: {  	s10 =	sld [smem:$0x3FBB]  }
0x39: {  	_ = 	snop;
	(pc) =	sbr.ind lr, $3  }
0x3a: {  	_ = 	snop  }
0x3b: {  	_ = 	snop  }
0x3c: {  	p2 =	seq.s32 s10, $0x1;
	s10 =	sld [smem:$0x3FBA]  }
0x3d: {  	_ =	shalt  }
0x3e: {  	_ =	shalt  }
0x3f: {  	_ =	shalt  }
0x40: {  	_ =	shalt  }
0x41: {  	_ =	shalt  }
0x42: {  	_ =	shalt  }
0x43: {  	_ =	shalt  }
0x44: {  	_ =	shalt  }
0x45: {  	_ =	shalt  }
0x46: {  	_ =	shalt  }
0x47: {  	_ =	shalt  }
0x48: {  	_ =	shalt  }
0x49: {  	_ =	shalt  }
0x4a: {  	_ =	shalt  }
0x4b: {  	_ =	shalt  }
0x4c: {  	_ =	shalt  }
0x4d: {  	_ =	shalt  }
0x4e: {  	_ =	shalt  }
0x4f: {  	_ =	shalt  }
0x50: {  	_ =	shalt  }
0x51: {  	_ =	shalt  }
0x52: {  	_ =	shalt  }
0x53: {  	_ =	shalt  }
0x54: {  	_ =	shalt  }
0x55: {  	_ =	shalt  }
0x56: {  	_ =	shalt  }
0x57: {  	_ =	shalt  }
0x58: {  	_ =	shalt  }
0x59: {  	_ =	shalt  }
0x5a: {  	_ =	shalt  }
0x5b: {  	_ =	shalt  }
0x5c: {  	_ =	shalt  }
0x5d: {  	_ =	shalt  }
0x5e: {  	_ =	shalt  }
0x5f: {  	_ =	shalt  }
0x60: {  	_ =	shalt  }
0x61: {  	_ =	shalt  }
0x62: {  	_ =	shalt  }
0x63: {  	_ =	shalt  }
0x64: {  	_ =	shalt  }
0x65: {  	_ =	shalt  }
0x66: {  	_ =	shalt  }
0x67: {  	_ =	shalt  }
0x68: {  	_ =	shalt  }
0x69: {  	_ =	shalt  }
0x6a: {  	_ =	shalt  }
0x6b: {  	_ =	shalt  }
0x6c: {  	_ =	shalt  }
0x6d: {  	_ =	shalt  }
0x6e: {  	_ =	shalt  }
0x6f: {  	_ =	shalt  }
0x70: {  	_ =	shalt  }
0x71: {  	_ =	shalt  }
0x72: {  	_ =	shalt  }
0x73: {  	_ =	shalt  }
0x74: {  	_ =	shalt  }
0x75: {  	_ =	shalt  }
0x76: {  	_ =	shalt  }
0x77: {  	_ =	shalt  }
0x78: {  	_ =	shalt  }
0x79: {  	_ =	shalt  }
0x7a: {  	_ =	shalt  }
0x7b: {  	_ =	shalt  }
0x7c: {  	_ =	shalt  }
0x7d: {  	_ =	shalt  }
0x7e: {  	_ =	shalt  }
0x7f: {  	_ =	shalt  }
0x80: {  	_ =	shalt  }
0x81: {  	_ =	shalt  }
0x82: {  	_ =	shalt  }
0x83: {  	_ =	shalt  }
0x84: {  	_ =	shalt  }
0x85: {  	_ =	shalt  }
0x86: {  	_ =	shalt  }
0x87: {  	_ =	shalt  }
.Lfunc_end0:
.L_simem_size_0:
called_computation.2_lowered:
.L_overlay_start_0:
0x88: {  	s2 =	sld [smem:$0x3FD9]  }
0x89: {  	s3 =	sld [smem:$0x3FFE];
	_ =	sdelay $0x1  }
0x8a: {  	s1 =	srdreg.scid  }
0x8b: {  	s0 =	sand.u32 $0x1, s1  }
0x8c: {  	s17 =	sshll.u32 s0, $0xA;
	s2 =	sadd.s32 s3, s2  }
0x8d: {  	s2 =	sadd.s32 s2, s17  }
0x8e: {  	[smem:$0x3FC6] =	sst s2  }
0x8f: {  	_ = 	snop  }
0x90: {  	s2 =	sld [smem:$0x3FC8]  }
0x91: {  	s18 =	sld [smem:$0x3FD0];
	(tm) =	ssettm $0x1  }
0x92: {  	s4 =	sld [smem:$0x3FFB];
	_ =	sdelay $0x3  }
0x93: {  	_ =	strace s4  }
0x94: {  	s4 =	sld [smem:$0x3FFC];
	_ =	sdelay $0x3  }
0x95: {  	_ =	strace s4  }
0x96: {  	s4 =	sld [smem:$0x3FFD];
	_ =	sdelay $0x3  }
0x97: {  	_ =	strace s4  }
0x98: {  	_ =	strace $0x8FFFFFFF  }
0x99: {  	s19 =	sld [smem:$0x3FDB];
	_ =	sdelay $0x1  }
0x9a: {  	s5 =	simm.s32 $_scs_section_size  }
0x9b: {  	s6 =	simm.s32 $_size__tile_overlayer_lowered;
	s7 =	simm.s32 $_tile_overlayer_lowered  }
0x9c: {  	s22 =	simm.s32 $0x1BFF;
	s21 =	sshll.u32 s7, $0x1;
	s4 =	sadd.s32 s5, s19  }
0x9d: {  	s8 =	simm.s32 $0x0;
	s20 =	sshll.u32 s6, $0x1;
	s6 =	sadd.s32 s21, s4  }
0x9e: {  	[timem:s8], [sflag:s22] =	dma.local [hbm:s6], s20  }
0x9f: {  	_ =	swait.ge [sflag:s22], s20  }
0xa0: {  	s5 =	ssub.s32 $0x0, s20;
	[sflag:s22] =	ssyncset.done $0x0  }
0xa1: {  	[sflag:s22] =	ssyncadd.s32 s5;
	_ =	sdelay $0x1  }
0xa2: {  	s23 =	simm.s32 $0x1B8B  }
0xa3: {  	_ =	swait.ge [sflag:s23], $0x1  }
0xa4: {  	[sflag:s23] =	ssyncset.done $0x0  }
0xa5: {  	s25 =	simm.s32 $0x1B8E;
	s24 =	sld [smem:$0x3FFE];
	[sflag:s23] =	ssyncadd.s32 $0xFFFFFFFF  }
0xa6: {  	s26 =	simm.s32 $execute0_lowered;
	[smem:$0x3FD2] =	sst s25  }
0xa7: {  	s6 =	sshll.u32 s26, $0x1;
	_ =	strace $0x8000004C;
	[dreg:$0x1] =	wrdreg $0xFFFFFFFF  }
0xa8: {  	s28 =	simm.s32 $_size_execute0_lowered;
	s4 =	sadd.s32 s4, s6;
	[dreg:$0x0] =	wrdreg $0x0  }
0xa9: {  	s6 =	sshll.u32 s28, $0x1;
	[dreg:$0x2] =	wrdreg s4  }
0xaa: {  	[dreg:$0x3] =	wrdreg s6  }
0xab: {  	[dreg:$0x4] =	wrdreg $0xC0  }
0xac: {  	_ =	task [dreg:s8], $0x5FFFF  }
0xad: {  	[dreg:$0x1] =	wrdreg $0xFFFFFFFF  }
0xae: {  	[dreg:$0x0] =	wrdreg $0x60  }
0xaf: {  	[dreg:$0x2] =	wrdreg s2  }
0xb0: {  	[dreg:$0x3] =	wrdreg s24  }
0xb1: {  	[dreg:$0x4] =	wrdreg s18  }
0xb2: {  	[dreg:$0x5] =	wrdreg $0x9  }
0xb3: {  	_ =	task.clear_ibuf [dreg:s8], $0x6FFFF;
	_ =	strace $0x9000004C  }
0xb4: {  	s29 =	simm.s32 $0x9;
	_ =	strace $0x8000004E  }
0xb5: {  	_ =	swait.ge [sflag:s29], $0x1  }
0xb6: {  	[sflag:s29] =	ssyncadd.s32 $0xFFFFFFFF  }
0xb7: {  	_ =	strace $0x9000004E  }
0xb8: {  	_ =	sfence  }
0xb9: {  	s30 =	sld [smem:$0x0];
	_ =	sdelay $0x2  }
0xba: {  	s31 =	sshll.u32 s1, $0xD;
	s1 =	sshrl.u32 s1, $0x2  }
0xbb: {  	s3 =	sand.u32 $0x4000, s31;
	s1 =	sadd.s32 s1, s30  }
0xbc: {  	s0 =	sor.u32 s3, s0;
	s1 =	sshll.u32 s1, $0x11  }
0xbd: {  	s0 =	sor.u32 s1, s0  }
0xbe: {  	s0 =	sadd.s32 $0x8F2B, s0  }
0xbf: {  	[sflag:s0] =	ssyncadd.remote.s32 $0x1  }
0xc0: {  	_ =	sfence.sel $0xFFFF  }
0xc1: {  	[dreg:$0x0] =	wrdreg $0xFFFFFFFF;
	(pc) =	sbr.abs _section_cstart, $3  }
0xc2: {  	[dreg:$0x1] =	wrdreg $0xFFFFFFFF  }
0xc3: {  	_ =	task.clear_ibuf [dreg:s8], $0x2FFFF;
	_ =	strace $0x9FFFFFFF  }
0xc4: {  	(tm) =	ssettm $0x7FFFFFFF  }
0xc5: {  	_ =	shalt  }
tec
execute0_lowered:
.L_overlay_start_1:
0x0: {  	(tag) =	ssettag $0x1  }
0x1: {  	s1 =	rddreg [dreg:$0x0]  }
0x2: {  	s5 =	rddreg [dreg:$0x1]  }
0x3: {  	s3 =	rddreg [dreg:$0x2]  }
0x4: {  	s0 =	rddreg [dreg:$0x3]  }
0x5: {  	s6 =	srdreg.scid;
	s2 =	stileid.u32  }
0x6: {  	s4 =	simm.s32 $0x0;
	s14 =	simm.s32 $0x80;
	s15 =	simm.s32 $0x1  }
0x7: {  	s16 =	simm.s32 $0x100;
	s17 =	simm.s32 $0x900;
	s18 =	simm.s32 $0x1100  }
0x8: {  	s19 =	simm.s32 $0x1900;
	s6 =	sand.u32 $0x1, s6;
	s7 =	sshll.u32 s2, $0x1  }
0x9: {  	[smem:$0x7FF] =	sst s4;
	s9 =	sadd.s32 $0x300, s1;
	s10 =	sadd.s32 $0x100, s3  }
0xa: {  	s11 =	sadd.s32 $0x200, s3;
	s12 =	sadd.s32 $0x300, s3;
	s8 =	ssub.s32 $0x2, s6  }
0xb: {  	v0 =	vlaneseq.u32;
	s6 =	sor.u32 s6, s7;
	_ =	strace $0x8000004D;
	s31 =	sshrl.u32 s8, $0x1  }
0xc: {  	v1 =	vshrl.u32 v0, $0x3;
	s7 =	sadd.s32 $0x100, s1;
	s5 =	sadd.s32 s5, s6;
	s13 =	ssub.s32 s8, s31  }
0xd: {  	vm0 =	vmmov $0xffff;
	v0 =	vand.u32 $0x7, v0;
	v1 =	vmul.u32 $0x8, v1;
	s6 =	sadd.s32 $0x200, s5;
	s8 =	sadd.s32 $0x200, s1;
	s13 =	smax.u32 s13, $0x1  }
.LBB2_1:
0xe: {  	[tilespmem:s4], [sflag:$0x1] =	stream.linear.gather [hbm4b:s6+s4], $0x8, $0x38;
	[tilespmem:$0x2100] =	vst v63  }
0xf: {  	_ = 	snop  }
0x10: {  	[tilespmem:s14], [sflag:$0x1] =	stream.linear.gather [hbm4b:s5+s4], $0x8, $0x38;
	[tilespmem:$0x2100] =	vst v63  }
0x11: {  	_ =	swait.ge [sflag:s15], $0x8  }
0x12: {  	[sflag:s15] =	ssyncset.done $0x0  }
0x13: {  	[sflag:s15] =	ssyncadd.s32 $0xFFFFFFF8  }
0x14: {  	_ =	swait.ge [sflag:s15], $0x8  }
0x15: {  	[sflag:s15] =	ssyncset.done $0x0  }
0x16: {  	[sflag:s15] =	ssyncadd.s32 $0xFFFFFFF8  }
0x17: {  	v2 =	vld.msk [tilespmem:$0x80], $0xff;
	_ =	sdelay $0x4  }
0x18: {  	v3 =	vshll.u32 v2, $0x3  }
0x19: {  	v2 =	vand.u32 $0x7, v2;
	v3 =	vand.u32 $0xFFFFFFC0, v3  }
0x1a: {  	v2 =	vor.u32 v2, v3  }
0x1b: {  	v2 =	vperm.xlane v2, v0;
	_ =	sdelay $0x1  }
0x1c: {  	v2 =	vadd.s32 v1, v2;
	_ =	sdelay $0x4  }
0x1d: {  	[tilespmem:s16], [sflag:$0x1] =	stream.indirect_vreg.gather [hbm4b:s1+s4], $0x80, v2, vm0, $0xb8;
	[tilespmem:$0x2100] =	vst v63  }
0x1e: {  	_ = 	snop  }
0x1f: {  	[tilespmem:s17], [sflag:$0x1] =	stream.indirect_vreg.gather [hbm4b:s7+s4], $0x80, v2, vm0, $0xb8;
	[tilespmem:$0x2100] =	vst v63  }
0x20: {  	_ = 	snop  }
0x21: {  	[tilespmem:s18], [sflag:$0x1] =	stream.indirect_vreg.gather [hbm4b:s8+s4], $0x80, v2, vm0, $0xb8;
	[tilespmem:$0x2100] =	vst v63  }
0x22: {  	_ = 	snop  }
0x23: {  	[tilespmem:s19], [sflag:$0x1] =	stream.indirect_vreg.gather [hbm4b:s9+s4], $0x80, v2, vm0, $0xb8;
	[tilespmem:$0x2100] =	vst v63  }
0x24: {  	_ =	swait.ge [sflag:s15], $0x2000  }
0x25: {  	[sflag:s15] =	ssyncset.done $0x0  }
0x26: {  	[sflag:s15] =	ssyncadd.s32 $0xFFFFE000  }
0x27: {  	v2 =	vld.msk [tilespmem:$0x0], $0xff;
	_ =	sdelay $0x4  }
0x28: {  	v3 =	vshll.u32 v2, $0x3  }
0x29: {  	v2 =	vand.u32 $0x7, v2;
	v3 =	vand.u32 $0xFFFFFFC0, v3  }
0x2a: {  	v2 =	vor.u32 v2, v3  }
0x2b: {  	v2 =	vperm.xlane v2, v0;
	_ =	sdelay $0x1  }
0x2c: {  	v2 =	vadd.s32 v1, v2;
	_ =	sdelay $0x4  }
0x2d: {  	[hbm4b:s3+s4] =	stream.indirect_vreg.scatter [tilespmem:s16], [sflag:$0x1], $0x80, v2, vm0, $0xb8;
	[tilespmem:$0x2100] =	vst v63  }
0x2e: {  	_ = 	snop  }
0x2f: {  	[hbm4b:s10+s4] =	stream.indirect_vreg.scatter [tilespmem:s17], [sflag:$0x1], $0x80, v2, vm0, $0xb8;
	[tilespmem:$0x2100] =	vst v63  }
0x30: {  	p0 =	sne.s32 s13, $0x1  }
0x31: {  	[hbm4b:s11+s4] =	stream.indirect_vreg.scatter [tilespmem:s18], [sflag:$0x1], $0x80, v2, vm0, $0xb8;
	[tilespmem:$0x2100] =	vst v63  }
.Ltmp0:
0x32: {  	_ = 	snop;
	(pc) =	sbr.rel @p0 .LBB2_1-.Ltmp0, $4  }
0x33: {  	[hbm4b:s12+s4] =	stream.indirect_vreg.scatter [tilespmem:s19], [sflag:$0x1], $0x80, v2, vm0, $0xb8;
	[tilespmem:$0x2100] =	vst v63  }
0x34: {  	_ =	swait.ge [sflag:s15], $0x2000  }
0x35: {  	[sflag:s15] =	ssyncset.done $0x0  }
0x36: {  	s13 =	sadd.s32 $0xFFFFFFFF, s13;
	[sflag:s15] =	ssyncadd.s32 $0xFFFFE000  }
0x37: {  	_ =	sfence.sel $0x180000  }
0x38: {  	[bflag:$0x0] =	sbarrier.arrive $0xFFFF  }
0x39: {  	p0 =	sne.s32 s2, $0x0;
	_ =	strace $0x9000004D  }
0x3a: {  	s0 =	sadd.s32 @!p0 $0x100000, s0;
	[bflag:$0x2] =	sbarrier.arrive $0xFFFF  }
0x3b: {  	[sflag:s0] =	ssyncadd.tile.s32 @!p0 $0x1;
	_ =	shalt  }
.Lfunc_end2:
_tile_overlayer_lowered:
.L_overlay_start_2:
0x3c: {  	(tag) =	ssettag $0x2  }
0x3d: {  	s0 =	rddreg [dreg:$0x0];
	s2 =	stileid.u32  }
0x3e: {  	s1 =	rddreg [dreg:$0x1];
	p0 =	sne.s32 s2, $0x0  }
0x3f: {  	s3 =	rddreg [dreg:$0x2];
	[bflag:$0x3] =	sbarrier.arrive $0xFFFF;
	s2 =	simm.s32 @!p0 $0x1C02  }
0x40: {  	[timem:s3], [sflag:s2] =	dma.local @!p0 [hbm:s0], s1  }
0x41: {  	s0 =	simm.s32 @!p0 $0x2  }
0x42: {  	_ =	swait.ge @!p0 [sflag:s0], s1  }
0x43: {  	s1 =	ssub.s32 @!p0 $0x0, s1;
	[sflag:s0] =	ssyncset.done @!p0 $0x0  }
0x44: {  	[sflag:s0] =	ssyncadd.s32 @!p0 s1  }
0x45: {  	[bflag:$0x3] =	sbarrier.arrive $0xFFFF  }
0x46: {  	_ =	shalt  }

</sc_bundles>
